<compile_context>
chip_gen: v7x
topology: tpu7x:2x2x1
jax: 0.10.2.dev20260603
libtpu: 0.0.44.dev20260713+nightly
codegen_flags: <defaults>
</compile_context>

<pallas_src>
import jax
import jax.numpy as jnp
from jax import lax
from jax.experimental import pallas as pl
from jax.experimental.pallas import tpu as pltpu
from jax.experimental.pallas import tpu_sc as plsc

BATCH = 16384
DIM = 64
N_CLASSES = 1000000
NUM_CORES = 2
NUM_SUBCORES = 16
NUM_WORKERS = NUM_CORES * NUM_SUBCORES
COLS_PER_WORKER = BATCH // NUM_WORKERS
LANES = 16
LANE_TILE = 128
RING = 10
FLUSH = 128
STAGE_ROWS = BATCH + FLUSH
NLOC = COLS_PER_WORKER
NGRP_LOC = NLOC // LANES
ZOFF = LANE_TILE


def _iota16():
    return lax.iota(jnp.int32, LANES)


def _a_body(zs_hbm, ns_hbm, pt_hbm, stage_hbm,
            zs, ns, flist, fstart, bufs, outbuf, nlist, sems, fsem):
    w = lax.axis_index("s") * NUM_CORES + lax.axis_index("c")
    pltpu.sync_copy(zs_hbm.at[w], zs.at[:, pl.ds(ZOFF, NLOC)])
    pltpu.sync_copy(ns_hbm.at[w], ns.at[:, pl.ds(0, NLOC)])
    plsc.store_scatter(
        zs.at[0],
        [_iota16() + (ZOFF - LANES)],
        jnp.full((LANES,), -(1 << 30), jnp.int32),
        mask=_iota16() == LANES - 1,
    )

    def dedup_body(g, nf):
        cur = zs[0, pl.ds(ZOFF + g * LANES, LANES)]
        prev = zs[0, pl.ds(ZOFF - 1 + g * LANES, LANES)]
        tcur = lax.shift_right_logical(cur, 7)
        tprev = lax.shift_right_logical(prev, 7)
        mask = tcur != tprev
        mi = plsc.cumsum(mask.astype(jnp.int32))
        slots = mi + (nf - 1)
        plsc.store_scatter(flist, [slots], lax.shift_left(tcur, 7), mask=mask)
        plsc.store_scatter(fstart, [slots], _iota16() + g * LANES, mask=mask)
        return nf + mi[LANES - 1]

    nf = lax.fori_loop(0, NGRP_LOC, dedup_body, 0)
    plsc.store_scatter(
        fstart,
        [jnp.full((LANES,), nf, jnp.int32)],
        jnp.full((LANES,), NLOC, jnp.int32),
        mask=_iota16() == 0,
    )

    def preset_nlist():
        for k in range(FLUSH // LANES):
            nlist[pl.ds(k * LANES, LANES)] = _iota16() + (BATCH + k * LANES)

    preset_nlist()

    def flush():
        pltpu.async_copy(outbuf, stage_hbm.at[nlist], fsem).wait()
        preset_nlist()

    def fire(f, k):
        z128 = pl.multiple_of(flist[pl.ds(f, LANES)][0], LANE_TILE)
        pltpu.async_copy(
            pt_hbm.at[:, pl.ds(z128, LANE_TILE)], bufs.at[k], sems.at[k]
        )

    def drain(k):
        pltpu.make_async_copy(
            pt_hbm.at[:, pl.ds(0, LANE_TILE)], bufs.at[k], sems.at[k]
        ).wait()

    for k in range(RING):
        @pl.when(k < nf)
        def _():
            fire(k, k)

    def fetch_body(f, s):
        k = lax.rem(f, RING)
        drain(k)

        @pl.when(f + RING < nf)
        def _():
            fire(f + RING, k)

        kvec = jnp.full((LANES,), k, jnp.int32)
        t0 = fstart[pl.ds(f, LANES)][0]
        t1 = fstart[pl.ds(f + 1, LANES)][0]

        def cls_body(t, s2):
            l = zs[0, pl.ds(ZOFF + t, LANES)][0] & (LANE_TILE - 1)
            n = ns[0, pl.ds(t, LANES)][0]
            lvec = jnp.full((LANES,), l, jnp.int32)
            for j in range(DIM // LANES):
                dvec = _iota16() + j * LANES
                v = plsc.load_gather(bufs, [kvec, dvec, lvec])
                outbuf[s2, pl.ds(j * LANES, LANES)] = v
            plsc.store_scatter(
                nlist,
                [jnp.full((LANES,), s2, jnp.int32)],
                jnp.full((LANES,), n, jnp.int32),
                mask=_iota16() == 0,
            )
            s3 = s2 + 1

            @pl.when(s3 == FLUSH)
            def _():
                flush()

            return jnp.where(s3 == FLUSH, 0, s3)

        return lax.fori_loop(t0, t1, cls_body, s)

    s_end = lax.fori_loop(0, nf, fetch_body, 0)

    @pl.when(s_end > 0)
    def _():
        flush()


def _b_body(xt_hbm, stage_hbm, out_hbm, acc, piece):
    w = lax.axis_index("s") * NUM_CORES + lax.axis_index("c")
    base = pl.multiple_of(w * COLS_PER_WORKER, COLS_PER_WORKER)
    pltpu.sync_copy(xt_hbm.at[:, pl.ds(base, COLS_PER_WORKER)], acc)
    half = COLS_PER_WORKER // 2
    for p in range(2):
        pltpu.sync_copy(
            stage_hbm.at[pl.ds(base + p * half, half), :], piece
        )

        def row_body(r, carry):
            rvec = jnp.full((LANES,), r, jnp.int32)
            cvec = jnp.full((LANES,), p * half + r, jnp.int32)
            for j in range(DIM // LANES):
                dvec = _iota16() + j * LANES
                v = plsc.load_gather(piece, [rvec, dvec])
                plsc.addupdate_scatter(acc, [dvec, cvec], v)
            return carry

        lax.fori_loop(0, half, row_body, 0)
    pltpu.sync_copy(acc, out_hbm.at[:, pl.ds(base, COLS_PER_WORKER)])


@jax.jit
def kernel(x, classes, biases):
    cls32 = classes.astype(jnp.int32)
    nidx = lax.iota(jnp.int32, BATCH)
    zs_sorted, ns_sorted = lax.sort_key_val(cls32, nidx)
    zs_r = zs_sorted.reshape(NUM_WORKERS, 1, NLOC)
    ns_r = ns_sorted.reshape(NUM_WORKERS, 1, NLOC)

    mesh = plsc.VectorSubcoreMesh(core_axis_name="c", subcore_axis_name="s")
    run_a = pl.kernel(
        _a_body,
        out_type=jax.ShapeDtypeStruct((STAGE_ROWS, LANE_TILE), jnp.float32),
        mesh=mesh,
        scratch_types=[
            pltpu.VMEM((1, ZOFF + NLOC + LANES), jnp.int32),
            pltpu.VMEM((1, NLOC + LANES), jnp.int32),
            pltpu.VMEM((NLOC + LANES,), jnp.int32),
            pltpu.VMEM((NLOC + 2 * LANES,), jnp.int32),
            pltpu.VMEM((RING, DIM, LANE_TILE), jnp.float32),
            pltpu.VMEM((FLUSH, LANE_TILE), jnp.float32),
            pltpu.VMEM((FLUSH,), jnp.int32),
            pltpu.SemaphoreType.DMA((RING,)),
            pltpu.SemaphoreType.DMA,
        ],
        compiler_params=pltpu.CompilerParams(needs_layout_passes=False),
    )
    staging = run_a(zs_r, ns_r, biases.T)

    run_b = pl.kernel(
        _b_body,
        out_type=jax.ShapeDtypeStruct((DIM, BATCH), jnp.float32),
        mesh=mesh,
        scratch_types=[
            pltpu.VMEM((DIM, COLS_PER_WORKER), jnp.float32),
            pltpu.VMEM((COLS_PER_WORKER // 2, LANE_TILE), jnp.float32),
        ],
        compiler_params=pltpu.CompilerParams(needs_layout_passes=False),
    )
    out_t = run_b(x.T, staging)
    return out_t.T

# --- scband reference (transcript-rebuilt; emitter-appended) ---
"""Pipeline reference for scband-class-conditional-bias-35089882808672 (READ-ONLY COPY).

The authoritative reference and input builder live on the scoring server;
editing this copy changes nothing except your own understanding.
"""

import jax, jax.numpy as jnp
import numpy as np

N_CLASSES = 1000000
DIM = 64
BATCH = 16384

def setup_inputs(seed: int = 0) -> dict:
    key = jax.random.key(seed)
    k1, k2, k3 = jax.random.split(key, 3)
    x = jax.random.normal(k1, (BATCH, DIM), dtype=jnp.float32)
    classes = jax.random.randint(k2, (BATCH,), 0, N_CLASSES, dtype=jnp.int64 if jax.config.jax_enable_x64 else jnp.int32)
    # learned parameter: class-conditional bias table (initialized zeros in the module;
    # use small random values so the op is observable)
    biases = jax.random.normal(k3, (N_CLASSES, DIM), dtype=jnp.float32) * 0.02
    return {"x": x, "classes": classes, "biases": biases}

def reference(x, classes, biases):
    # y = x + b_z : gather class-specific bias rows and add
    b = jnp.take(biases, classes, axis=0)  # [N, dim]
    return x + b

if __name__ == "__main__":
    import jax
    _d = setup_inputs()
    print(jax.jit(kernel)(*tuple(_d.values())))

</pallas_src>

<mosaic_0001>
#map = affine_map<(d0, d1) -> (0, 0, 0)>
#map1 = affine_map<(d0, d1) -> (0, 0)>
module attributes {stable_mosaic.version = 14 : i64} {
  func.func @_a_body(%arg0: i32, %arg1: i32, %arg2: memref<32x1x512xi32, #tpu.memory_space<hbm>>, %arg3: memref<32x1x512xi32, #tpu.memory_space<hbm>>, %arg4: memref<64x1000000xf32, #tpu.memory_space<hbm>>, %arg5: memref<16512x128xf32, #tpu.memory_space<hbm>>, %arg6: memref<1x656xi32, #tpu.memory_space<vmem>>, %arg7: memref<1x528xi32, #tpu.memory_space<vmem>>, %arg8: memref<528xi32, #tpu.memory_space<vmem>>, %arg9: memref<544xi32, #tpu.memory_space<vmem>>, %arg10: memref<10x64x128xf32, #tpu.memory_space<vmem>>, %arg11: memref<128x128xf32, #tpu.memory_space<vmem>>, %arg12: memref<128xi32, #tpu.memory_space<vmem>>, %arg13: memref<10x!tpu.dma_semaphore, #tpu.memory_space<semaphore_mem>>, %arg14: memref<!tpu.dma_semaphore, #tpu.memory_space<semaphore_mem>>) attributes {dimension_semantics = [#tpu.dimension_semantics<core_parallel>, #tpu.dimension_semantics<subcore_parallel>], iteration_bounds = array<i64: 2, 16>, scalar_prefetch = 0 : i64, scratch_operands = 9 : i64, tpu.core_type = #tpu.core_type<sc_vector_subcore>, window_params = [{transform_indices = #map}, {transform_indices = #map}, {transform_indices = #map1}, {transform_indices = #map1}]} {
    %mul3A = arith.constant 2 : i32
    %mul3A_0 = arith.muli %arg1, %mul3A : i32
    %add3A = arith.addi %mul3A_0, %arg0 : i32
    "tpu.region"() ({
      %run_scoped3A = tpu.sem_alloc : memref<!tpu.dma_semaphore, #tpu.memory_space<semaphore_mem>>
      %dma_start3A = arith.constant 0 : i32
      %dma_start3A_134 = arith.constant 128 : i32
      %dma_start3A_135 = tpu.memref_slice %arg6[%dma_start3A, %dma_start3A_134] : memref<1x656xi32, #tpu.memory_space<vmem>> -> memref<1x512xi32, #tpu.memory_space<vmem>>
      %dma_start3A_136 = arith.constant 0 : i32
      %dma_start3A_137 = arith.constant 0 : i32
      %dma_start3A_138 = tpu.memref_slice %arg2[%add3A, %dma_start3A_136, %dma_start3A_137] : memref<32x1x512xi32, #tpu.memory_space<hbm>> -> memref<1x1x512xi32, #tpu.memory_space<hbm>>
      %dma_start3A_139 = tpu.memref_squeeze %dma_start3A_138 : memref<1x1x512xi32, #tpu.memory_space<hbm>> -> memref<1x512xi32, #tpu.memory_space<hbm>>
      %dma_start3A_140 = arith.constant 0 : i32
      %dma_start3A_141 = arith.constant 128 : i32
      %dma_start3A_142 = tpu.memref_slice %arg6[%dma_start3A_140, %dma_start3A_141] : memref<1x656xi32, #tpu.memory_space<vmem>> -> memref<1x512xi32, #tpu.memory_space<vmem>>
      %dma_start3A_143 = arith.constant 0 : i32
      %dma_start3A_144 = arith.constant 0 : i32
      %dma_start3A_145 = tpu.memref_slice %arg2[%add3A, %dma_start3A_143, %dma_start3A_144] : memref<32x1x512xi32, #tpu.memory_space<hbm>> -> memref<1x1x512xi32, #tpu.memory_space<hbm>>
      %dma_start3A_146 = tpu.memref_squeeze %dma_start3A_145 : memref<1x1x512xi32, #tpu.memory_space<hbm>> -> memref<1x512xi32, #tpu.memory_space<hbm>>
      tpu.enqueue_dma source(%dma_start3A_146 : memref<1x512xi32, #tpu.memory_space<hbm>>) target(%dma_start3A_142 : memref<1x512xi32, #tpu.memory_space<vmem>>) target_semaphore(%run_scoped3A : memref<!tpu.dma_semaphore, #tpu.memory_space<semaphore_mem>>)
      %dma_wait3A = arith.constant 0 : i32
      %dma_wait3A_147 = arith.constant 128 : i32
      %dma_wait3A_148 = tpu.memref_slice %arg6[%dma_wait3A, %dma_wait3A_147] : memref<1x656xi32, #tpu.memory_space<vmem>> -> memref<1x512xi32, #tpu.memory_space<vmem>>
      %dma_wait3A_149 = arith.constant 0 : i32
      %dma_wait3A_150 = arith.constant 0 : i32
      %dma_wait3A_151 = tpu.memref_slice %arg2[%add3A, %dma_wait3A_149, %dma_wait3A_150] : memref<32x1x512xi32, #tpu.memory_space<hbm>> -> memref<1x1x512xi32, #tpu.memory_space<hbm>>
      %dma_wait3A_152 = tpu.memref_squeeze %dma_wait3A_151 : memref<1x1x512xi32, #tpu.memory_space<hbm>> -> memref<1x512xi32, #tpu.memory_space<hbm>>
      %dma_wait3A_153 = arith.constant 0 : i32
      %dma_wait3A_154 = arith.constant 128 : i32
      %dma_wait3A_155 = tpu.memref_slice %arg6[%dma_wait3A_153, %dma_wait3A_154] : memref<1x656xi32, #tpu.memory_space<vmem>> -> memref<1x512xi32, #tpu.memory_space<vmem>>
      %dma_wait3A_156 = arith.constant 0 : i32
      %dma_wait3A_157 = arith.constant 0 : i32
      %dma_wait3A_158 = tpu.memref_slice %arg2[%add3A, %dma_wait3A_156, %dma_wait3A_157] : memref<32x1x512xi32, #tpu.memory_space<hbm>> -> memref<1x1x512xi32, #tpu.memory_space<hbm>>
      %dma_wait3A_159 = tpu.memref_squeeze %dma_wait3A_158 : memref<1x1x512xi32, #tpu.memory_space<hbm>> -> memref<1x512xi32, #tpu.memory_space<hbm>>
      tpu.wait_dma2 semaphore(%run_scoped3A : memref<!tpu.dma_semaphore, #tpu.memory_space<semaphore_mem>>) src(%dma_wait3A_159 : memref<1x512xi32, #tpu.memory_space<hbm>>) dst(%dma_wait3A_155 : memref<1x512xi32, #tpu.memory_space<vmem>>)
      tpu.yield
    }) : () -> ()
    "tpu.region"() ({
      %run_scoped3A = tpu.sem_alloc : memref<!tpu.dma_semaphore, #tpu.memory_space<semaphore_mem>>
      %dma_start3A = arith.constant 0 : i32
      %dma_start3A_134 = arith.constant 0 : i32
      %dma_start3A_135 = tpu.memref_slice %arg7[%dma_start3A, %dma_start3A_134] : memref<1x528xi32, #tpu.memory_space<vmem>> -> memref<1x512xi32, #tpu.memory_space<vmem>>
      %dma_start3A_136 = arith.constant 0 : i32
      %dma_start3A_137 = arith.constant 0 : i32
      %dma_start3A_138 = tpu.memref_slice %arg3[%add3A, %dma_start3A_136, %dma_start3A_137] : memref<32x1x512xi32, #tpu.memory_space<hbm>> -> memref<1x1x512xi32, #tpu.memory_space<hbm>>
      %dma_start3A_139 = tpu.memref_squeeze %dma_start3A_138 : memref<1x1x512xi32, #tpu.memory_space<hbm>> -> memref<1x512xi32, #tpu.memory_space<hbm>>
      %dma_start3A_140 = arith.constant 0 : i32
      %dma_start3A_141 = arith.constant 0 : i32
      %dma_start3A_142 = tpu.memref_slice %arg7[%dma_start3A_140, %dma_start3A_141] : memref<1x528xi32, #tpu.memory_space<vmem>> -> memref<1x512xi32, #tpu.memory_space<vmem>>
      %dma_start3A_143 = arith.constant 0 : i32
      %dma_start3A_144 = arith.constant 0 : i32
      %dma_start3A_145 = tpu.memref_slice %arg3[%add3A, %dma_start3A_143, %dma_start3A_144] : memref<32x1x512xi32, #tpu.memory_space<hbm>> -> memref<1x1x512xi32, #tpu.memory_space<hbm>>
      %dma_start3A_146 = tpu.memref_squeeze %dma_start3A_145 : memref<1x1x512xi32, #tpu.memory_space<hbm>> -> memref<1x512xi32, #tpu.memory_space<hbm>>
      tpu.enqueue_dma source(%dma_start3A_146 : memref<1x512xi32, #tpu.memory_space<hbm>>) target(%dma_start3A_142 : memref<1x512xi32, #tpu.memory_space<vmem>>) target_semaphore(%run_scoped3A : memref<!tpu.dma_semaphore, #tpu.memory_space<semaphore_mem>>)
      %dma_wait3A = arith.constant 0 : i32
      %dma_wait3A_147 = arith.constant 0 : i32
      %dma_wait3A_148 = tpu.memref_slice %arg7[%dma_wait3A, %dma_wait3A_147] : memref<1x528xi32, #tpu.memory_space<vmem>> -> memref<1x512xi32, #tpu.memory_space<vmem>>
      %dma_wait3A_149 = arith.constant 0 : i32
      %dma_wait3A_150 = arith.constant 0 : i32
      %dma_wait3A_151 = tpu.memref_slice %arg3[%add3A, %dma_wait3A_149, %dma_wait3A_150] : memref<32x1x512xi32, #tpu.memory_space<hbm>> -> memref<1x1x512xi32, #tpu.memory_space<hbm>>
      %dma_wait3A_152 = tpu.memref_squeeze %dma_wait3A_151 : memref<1x1x512xi32, #tpu.memory_space<hbm>> -> memref<1x512xi32, #tpu.memory_space<hbm>>
      %dma_wait3A_153 = arith.constant 0 : i32
      %dma_wait3A_154 = arith.constant 0 : i32
      %dma_wait3A_155 = tpu.memref_slice %arg7[%dma_wait3A_153, %dma_wait3A_154] : memref<1x528xi32, #tpu.memory_space<vmem>> -> memref<1x512xi32, #tpu.memory_space<vmem>>
      %dma_wait3A_156 = arith.constant 0 : i32
      %dma_wait3A_157 = arith.constant 0 : i32
      %dma_wait3A_158 = tpu.memref_slice %arg3[%add3A, %dma_wait3A_156, %dma_wait3A_157] : memref<32x1x512xi32, #tpu.memory_space<hbm>> -> memref<1x1x512xi32, #tpu.memory_space<hbm>>
      %dma_wait3A_159 = tpu.memref_squeeze %dma_wait3A_158 : memref<1x1x512xi32, #tpu.memory_space<hbm>> -> memref<1x512xi32, #tpu.memory_space<hbm>>
      tpu.wait_dma2 semaphore(%run_scoped3A : memref<!tpu.dma_semaphore, #tpu.memory_space<semaphore_mem>>) src(%dma_wait3A_159 : memref<1x512xi32, #tpu.memory_space<hbm>>) dst(%dma_wait3A_155 : memref<1x512xi32, #tpu.memory_space<vmem>>)
      tpu.yield
    }) : () -> ()
    %iota3A = tpu.iota {dimensions = array<i32: 0>} : vector<16xi32>
    %add3A_1 = arith.constant 112 : i32
    %add3A_2 = vector.broadcast %add3A_1 : i32 to vector<16xi32>
    %add3A_3 = arith.addi %iota3A, %add3A_2 : vector<16xi32>
    %broadcast_in_dim3A = arith.constant -1073741824 : i32
    %broadcast_in_dim3A_4 = vector.broadcast %broadcast_in_dim3A : i32 to vector<16xi32>
    %iota3A_5 = tpu.iota {dimensions = array<i32: 0>} : vector<16xi32>
    %eq3A = arith.constant 15 : i32
    %eq3A_6 = vector.broadcast %eq3A : i32 to vector<16xi32>
    %eq3A_7 = arith.cmpi eq, %iota3A_5, %eq3A_6 : vector<16xi32>
    %scatter3A = arith.constant 0 : i32
    %scatter3A_8 = arith.constant 0 : i32
    %scatter3A_9 = tpu.memref_slice %arg6[%scatter3A, %scatter3A_8] : memref<1x656xi32, #tpu.memory_space<vmem>> -> memref<1x656xi32, #tpu.memory_space<vmem>>
    %scatter3A_10 = tpu.memref_squeeze %scatter3A_9 : memref<1x656xi32, #tpu.memory_space<vmem>> -> memref<656xi32, #tpu.memory_space<vmem>>
    tpu.vector_store_idx %scatter3A_10[%add3A_3], %broadcast_in_dim3A_4 masked %eq3A_7 : memref<656xi32, #tpu.memory_space<vmem>>[vector<16xi32>], vector<16xi32>, vector<16xi1>
    %scan3A = arith.constant 0 : i32
    %scan3A_11 = arith.constant 0 : i32
    %scan3A_12 = arith.constant 32 : i32
    %scan3A_13 = arith.addi %scan3A_11, %scan3A_12 : i32
    %scan3A_14 = arith.constant 1 : i32
    %scan3A_15 = scf.for %scan3A_134 = %scan3A_11 to %scan3A_13 step %scan3A_14 iter_args(%scan3A_135 = %scan3A) -> (i32)  : i32 {
      %mul3A_136 = arith.constant 16 : i32
      %mul3A_137 = arith.muli %scan3A_134, %mul3A_136 : i32
      %add3A_138 = arith.constant 128 : i32
      %add3A_139 = arith.addi %add3A_138, %mul3A_137 : i32
      %get3A = arith.constant 0 : i32
      %get3A_140 = arith.index_cast %get3A : i32 to index
      %get3A_141 = arith.index_cast %add3A_139 : i32 to index
      %get3A_142 = tpu.vector_load %arg6[%get3A_140, %get3A_141] {strides = array<i32>} : memref<1x656xi32, #tpu.memory_space<vmem>>, vector<16xi32>,
      %mul3A_143 = arith.constant 16 : i32
      %mul3A_144 = arith.muli %scan3A_134, %mul3A_143 : i32
      %add3A_145 = arith.constant 127 : i32
      %add3A_146 = arith.addi %add3A_145, %mul3A_144 : i32
      %get3A_147 = arith.constant 0 : i32
      %get3A_148 = arith.index_cast %get3A_147 : i32 to index
      %get3A_149 = arith.index_cast %add3A_146 : i32 to index
      %get3A_150 = tpu.vector_load %arg6[%get3A_148, %get3A_149] {strides = array<i32>} : memref<1x656xi32, #tpu.memory_space<vmem>>, vector<16xi32>,
      %shift_right_logical3A = arith.constant 7 : i32
      %shift_right_logical3A_151 = vector.broadcast %shift_right_logical3A : i32 to vector<16xi32>
      %shift_right_logical3A_152 = arith.shrui %get3A_142, %shift_right_logical3A_151 : vector<16xi32>
      %shift_right_logical3A_153 = arith.constant 7 : i32
      %shift_right_logical3A_154 = vector.broadcast %shift_right_logical3A_153 : i32 to vector<16xi32>
      %shift_right_logical3A_155 = arith.shrui %get3A_150, %shift_right_logical3A_154 : vector<16xi32>
      %ne3A = arith.cmpi ne, %shift_right_logical3A_152, %shift_right_logical3A_155 : vector<16xi32>
      %convert_element_type3A_156 = arith.extui %ne3A : vector<16xi1> to vector<16xi32>
      %broadcast_in_dim3A_157 = arith.constant true
      %broadcast_in_dim3A_158 = vector.broadcast %broadcast_in_dim3A_157 : i1 to vector<16xi1>
      %masked_cumsum3A = tpu.scan <sum>, %convert_element_type3A_156 masked %broadcast_in_dim3A_158 : vector<16xi32>, vector<16xi1> -> vector<16xi32>
      %sub3A = arith.constant 1 : i32
      %sub3A_159 = arith.subi %scan3A_135, %sub3A : i32
      %add3A_160 = vector.broadcast %sub3A_159 : i32 to vector<16xi32>
      %add3A_161 = arith.addi %masked_cumsum3A, %add3A_160 : vector<16xi32>
      %shift_left3A = arith.constant 7 : i32
      %shift_left3A_162 = vector.broadcast %shift_left3A : i32 to vector<16xi32>
      %shift_left3A_163 = arith.shli %shift_right_logical3A_152, %shift_left3A_162 : vector<16xi32>
      tpu.vector_store_idx %arg8[%add3A_161], %shift_left3A_163 masked %ne3A : memref<528xi32, #tpu.memory_space<vmem>>[vector<16xi32>], vector<16xi32>, vector<16xi1>
      %iota3A_164 = tpu.iota {dimensions = array<i32: 0>} : vector<16xi32>
      %mul3A_165 = arith.constant 16 : i32
      %mul3A_166 = arith.muli %scan3A_134, %mul3A_165 : i32
      %add3A_167 = vector.broadcast %mul3A_166 : i32 to vector<16xi32>
      %add3A_168 = arith.addi %iota3A_164, %add3A_167 : vector<16xi32>
      tpu.vector_store_idx %arg9[%add3A_161], %add3A_168 masked %ne3A : memref<544xi32, #tpu.memory_space<vmem>>[vector<16xi32>], vector<16xi32>, vector<16xi1>
      %slice3A = vector.extract_strided_slice %masked_cumsum3A {offsets = [15], sizes = [1], strides = [1]} : vector<16xi32> to vector<1xi32>
      %squeeze3A = vector.extract %slice3A[0] : i32 from vector<1xi32>
      %add3A_169 = arith.addi %scan3A_135, %squeeze3A : i32
      scf.yield %add3A_169 : i32
    }
    %scan3A_16 = arith.constant 32 : i32
    %broadcast_in_dim3A_17 = vector.broadcast %scan3A_15 : i32 to vector<16xi32>
    %broadcast_in_dim3A_18 = arith.constant 512 : i32
    %broadcast_in_dim3A_19 = vector.broadcast %broadcast_in_dim3A_18 : i32 to vector<16xi32>
    %iota3A_20 = tpu.iota {dimensions = array<i32: 0>} : vector<16xi32>
    %eq3A_21 = arith.constant 0 : i32
    %eq3A_22 = vector.broadcast %eq3A_21 : i32 to vector<16xi32>
    %eq3A_23 = arith.cmpi eq, %iota3A_20, %eq3A_22 : vector<16xi32>
    tpu.vector_store_idx %arg9[%broadcast_in_dim3A_17], %broadcast_in_dim3A_19 masked %eq3A_23 : memref<544xi32, #tpu.memory_space<vmem>>[vector<16xi32>], vector<16xi32>, vector<16xi1>
    %iota3A_24 = tpu.iota {dimensions = array<i32: 0>} : vector<16xi32>
    %add3A_25 = arith.constant 16384 : i32
    %add3A_26 = vector.broadcast %add3A_25 : i32 to vector<16xi32>
    %add3A_27 = arith.addi %iota3A_24, %add3A_26 : vector<16xi32>
    %swap3A = arith.constant 0 : index
    %swap3A_28 = tpu.vector_load %arg12[%swap3A] {strides = array<i32>} : memref<128xi32, #tpu.memory_space<vmem>>, vector<16xi32>,
    tpu.vector_store %arg12[%swap3A], %add3A_27 {strides = array<i32>} : memref<128xi32, #tpu.memory_space<vmem>>, vector<16xi32>,
    %iota3A_29 = tpu.iota {dimensions = array<i32: 0>} : vector<16xi32>
    %add3A_30 = arith.constant 16400 : i32
    %add3A_31 = vector.broadcast %add3A_30 : i32 to vector<16xi32>
    %add3A_32 = arith.addi %iota3A_29, %add3A_31 : vector<16xi32>
    %swap3A_33 = arith.constant 16 : index
    %swap3A_34 = tpu.vector_load %arg12[%swap3A_33] {strides = array<i32>} : memref<128xi32, #tpu.memory_space<vmem>>, vector<16xi32>,
    tpu.vector_store %arg12[%swap3A_33], %add3A_32 {strides = array<i32>} : memref<128xi32, #tpu.memory_space<vmem>>, vector<16xi32>,
    %iota3A_35 = tpu.iota {dimensions = array<i32: 0>} : vector<16xi32>
    %add3A_36 = arith.constant 16416 : i32
    %add3A_37 = vector.broadcast %add3A_36 : i32 to vector<16xi32>
    %add3A_38 = arith.addi %iota3A_35, %add3A_37 : vector<16xi32>
    %swap3A_39 = arith.constant 32 : index
    %swap3A_40 = tpu.vector_load %arg12[%swap3A_39] {strides = array<i32>} : memref<128xi32, #tpu.memory_space<vmem>>, vector<16xi32>,
    tpu.vector_store %arg12[%swap3A_39], %add3A_38 {strides = array<i32>} : memref<128xi32, #tpu.memory_space<vmem>>, vector<16xi32>,
    %iota3A_41 = tpu.iota {dimensions = array<i32: 0>} : vector<16xi32>
    %add3A_42 = arith.constant 16432 : i32
    %add3A_43 = vector.broadcast %add3A_42 : i32 to vector<16xi32>
    %add3A_44 = arith.addi %iota3A_41, %add3A_43 : vector<16xi32>
    %swap3A_45 = arith.constant 48 : index
    %swap3A_46 = tpu.vector_load %arg12[%swap3A_45] {strides = array<i32>} : memref<128xi32, #tpu.memory_space<vmem>>, vector<16xi32>,
    tpu.vector_store %arg12[%swap3A_45], %add3A_44 {strides = array<i32>} : memref<128xi32, #tpu.memory_space<vmem>>, vector<16xi32>,
    %iota3A_47 = tpu.iota {dimensions = array<i32: 0>} : vector<16xi32>
    %add3A_48 = arith.constant 16448 : i32
    %add3A_49 = vector.broadcast %add3A_48 : i32 to vector<16xi32>
    %add3A_50 = arith.addi %iota3A_47, %add3A_49 : vector<16xi32>
    %swap3A_51 = arith.constant 64 : index
    %swap3A_52 = tpu.vector_load %arg12[%swap3A_51] {strides = array<i32>} : memref<128xi32, #tpu.memory_space<vmem>>, vector<16xi32>,
    tpu.vector_store %arg12[%swap3A_51], %add3A_50 {strides = array<i32>} : memref<128xi32, #tpu.memory_space<vmem>>, vector<16xi32>,
    %iota3A_53 = tpu.iota {dimensions = array<i32: 0>} : vector<16xi32>
    %add3A_54 = arith.constant 16464 : i32
    %add3A_55 = vector.broadcast %add3A_54 : i32 to vector<16xi32>
    %add3A_56 = arith.addi %iota3A_53, %add3A_55 : vector<16xi32>
    %swap3A_57 = arith.constant 80 : index
    %swap3A_58 = tpu.vector_load %arg12[%swap3A_57] {strides = array<i32>} : memref<128xi32, #tpu.memory_space<vmem>>, vector<16xi32>,
    tpu.vector_store %arg12[%swap3A_57], %add3A_56 {strides = array<i32>} : memref<128xi32, #tpu.memory_space<vmem>>, vector<16xi32>,
    %iota3A_59 = tpu.iota {dimensions = array<i32: 0>} : vector<16xi32>
    %add3A_60 = arith.constant 16480 : i32
    %add3A_61 = vector.broadcast %add3A_60 : i32 to vector<16xi32>
    %add3A_62 = arith.addi %iota3A_59, %add3A_61 : vector<16xi32>
    %swap3A_63 = arith.constant 96 : index
    %swap3A_64 = tpu.vector_load %arg12[%swap3A_63] {strides = array<i32>} : memref<128xi32, #tpu.memory_space<vmem>>, vector<16xi32>,
    tpu.vector_store %arg12[%swap3A_63], %add3A_62 {strides = array<i32>} : memref<128xi32, #tpu.memory_space<vmem>>, vector<16xi32>,
    %iota3A_65 = tpu.iota {dimensions = array<i32: 0>} : vector<16xi32>
    %add3A_66 = arith.constant 16496 : i32
    %add3A_67 = vector.broadcast %add3A_66 : i32 to vector<16xi32>
    %add3A_68 = arith.addi %iota3A_65, %add3A_67 : vector<16xi32>
    %swap3A_69 = arith.constant 112 : index
    %swap3A_70 = tpu.vector_load %arg12[%swap3A_69] {strides = array<i32>} : memref<128xi32, #tpu.memory_space<vmem>>, vector<16xi32>,
    tpu.vector_store %arg12[%swap3A_69], %add3A_68 {strides = array<i32>} : memref<128xi32, #tpu.memory_space<vmem>>, vector<16xi32>,
    %gt3A = arith.constant 0 : i32
    %gt3A_71 = arith.cmpi sgt, %scan3A_15, %gt3A : i32
    %convert_element_type3A = arith.extui %gt3A_71 : i1 to i32
    %cond3A = arith.constant 0 : i32
    %cond3A_72 = arith.cmpi ne, %convert_element_type3A, %cond3A : i32
    scf.if %cond3A_72 {
      %get3A = arith.constant 0 : index
      %get3A_134 = tpu.vector_load %arg8[%get3A] {strides = array<i32>} : memref<528xi32, #tpu.memory_space<vmem>>, vector<16xi32>,
      %slice3A = vector.extract_strided_slice %get3A_134 {offsets = [0], sizes = [1], strides = [1]} : vector<16xi32> to vector<1xi32>
      %squeeze3A = vector.extract %slice3A[0] : i32 from vector<1xi32>
      %multiple_of3A = tpu.assume_multiple %squeeze3A, 128 : i32
      %dma_start3A = arith.constant 0 : i32
      %dma_start3A_135 = arith.constant 0 : i32
      %dma_start3A_136 = arith.constant 0 : i32
      %dma_start3A_137 = arith.constant 0 : i32
      %dma_start3A_138 = tpu.memref_slice %arg10[%dma_start3A, %dma_start3A_136, %dma_start3A_137] : memref<10x64x128xf32, #tpu.memory_space<vmem>> -> memref<1x64x128xf32, #tpu.memory_space<vmem>>
      %dma_start3A_139 = tpu.memref_squeeze %dma_start3A_138 : memref<1x64x128xf32, #tpu.memory_space<vmem>> -> memref<64x128xf32, #tpu.memory_space<vmem>>
      %dma_start3A_140 = arith.constant 0 : i32
      %dma_start3A_141 = tpu.memref_slice %arg4[%dma_start3A_140, %multiple_of3A] : memref<64x1000000xf32, #tpu.memory_space<hbm>> -> memref<64x128xf32, #tpu.memory_space<hbm>>
      %dma_start3A_142 = tpu.memref_slice %arg13[%dma_start3A_135] : memref<10x!tpu.dma_semaphore, #tpu.memory_space<semaphore_mem>> -> memref<1x!tpu.dma_semaphore, #tpu.memory_space<semaphore_mem>>
      %dma_start3A_143 = tpu.memref_squeeze %dma_start3A_142 : memref<1x!tpu.dma_semaphore, #tpu.memory_space<semaphore_mem>> -> memref<!tpu.dma_semaphore, #tpu.memory_space<semaphore_mem>>
      %dma_start3A_144 = arith.constant 0 : i32
      %dma_start3A_145 = arith.constant 0 : i32
      %dma_start3A_146 = tpu.memref_slice %arg10[%dma_start3A, %dma_start3A_144, %dma_start3A_145] : memref<10x64x128xf32, #tpu.memory_space<vmem>> -> memref<1x64x128xf32, #tpu.memory_space<vmem>>
      %dma_start3A_147 = tpu.memref_squeeze %dma_start3A_146 : memref<1x64x128xf32, #tpu.memory_space<vmem>> -> memref<64x128xf32, #tpu.memory_space<vmem>>
      %dma_start3A_148 = arith.constant 0 : i32
      %dma_start3A_149 = tpu.memref_slice %arg4[%dma_start3A_148, %multiple_of3A] : memref<64x1000000xf32, #tpu.memory_space<hbm>> -> memref<64x128xf32, #tpu.memory_space<hbm>>
      tpu.enqueue_dma source(%dma_start3A_149 : memref<64x128xf32, #tpu.memory_space<hbm>>) target(%dma_start3A_147 : memref<64x128xf32, #tpu.memory_space<vmem>>) target_semaphore(%dma_start3A_143 : memref<!tpu.dma_semaphore, #tpu.memory_space<semaphore_mem>>)
    } else {
    }
    %gt3A_73 = arith.constant 1 : i32
    %gt3A_74 = arith.cmpi sgt, %scan3A_15, %gt3A_73 : i32
    %convert_element_type3A_75 = arith.extui %gt3A_74 : i1 to i32
    %cond3A_76 = arith.constant 0 : i32
    %cond3A_77 = arith.cmpi ne, %convert_element_type3A_75, %cond3A_76 : i32
    scf.if %cond3A_77 {
      %get3A = arith.constant 1 : index
      %get3A_134 = tpu.vector_load %arg8[%get3A] {strides = array<i32>} : memref<528xi32, #tpu.memory_space<vmem>>, vector<16xi32>,
      %slice3A = vector.extract_strided_slice %get3A_134 {offsets = [0], sizes = [1], strides = [1]} : vector<16xi32> to vector<1xi32>
      %squeeze3A = vector.extract %slice3A[0] : i32 from vector<1xi32>
      %multiple_of3A = tpu.assume_multiple %squeeze3A, 128 : i32
      %dma_start3A = arith.constant 1 : i32
      %dma_start3A_135 = arith.constant 1 : i32
      %dma_start3A_136 = arith.constant 0 : i32
      %dma_start3A_137 = arith.constant 0 : i32
      %dma_start3A_138 = tpu.memref_slice %arg10[%dma_start3A, %dma_start3A_136, %dma_start3A_137] : memref<10x64x128xf32, #tpu.memory_space<vmem>> -> memref<1x64x128xf32, #tpu.memory_space<vmem>>
      %dma_start3A_139 = tpu.memref_squeeze %dma_start3A_138 : memref<1x64x128xf32, #tpu.memory_space<vmem>> -> memref<64x128xf32, #tpu.memory_space<vmem>>
      %dma_start3A_140 = arith.constant 0 : i32
      %dma_start3A_141 = tpu.memref_slice %arg4[%dma_start3A_140, %multiple_of3A] : memref<64x1000000xf32, #tpu.memory_space<hbm>> -> memref<64x128xf32, #tpu.memory_space<hbm>>
      %dma_start3A_142 = tpu.memref_slice %arg13[%dma_start3A_135] : memref<10x!tpu.dma_semaphore, #tpu.memory_space<semaphore_mem>> -> memref<1x!tpu.dma_semaphore, #tpu.memory_space<semaphore_mem>>
      %dma_start3A_143 = tpu.memref_squeeze %dma_start3A_142 : memref<1x!tpu.dma_semaphore, #tpu.memory_space<semaphore_mem>> -> memref<!tpu.dma_semaphore, #tpu.memory_space<semaphore_mem>>
      %dma_start3A_144 = arith.constant 0 : i32
      %dma_start3A_145 = arith.constant 0 : i32
      %dma_start3A_146 = tpu.memref_slice %arg10[%dma_start3A, %dma_start3A_144, %dma_start3A_145] : memref<10x64x128xf32, #tpu.memory_space<vmem>> -> memref<1x64x128xf32, #tpu.memory_space<vmem>>
      %dma_start3A_147 = tpu.memref_squeeze %dma_start3A_146 : memref<1x64x128xf32, #tpu.memory_space<vmem>> -> memref<64x128xf32, #tpu.memory_space<vmem>>
      %dma_start3A_148 = arith.constant 0 : i32
      %dma_start3A_149 = tpu.memref_slice %arg4[%dma_start3A_148, %multiple_of3A] : memref<64x1000000xf32, #tpu.memory_space<hbm>> -> memref<64x128xf32, #tpu.memory_space<hbm>>
      tpu.enqueue_dma source(%dma_start3A_149 : memref<64x128xf32, #tpu.memory_space<hbm>>) target(%dma_start3A_147 : memref<64x128xf32, #tpu.memory_space<vmem>>) target_semaphore(%dma_start3A_143 : memref<!tpu.dma_semaphore, #tpu.memory_space<semaphore_mem>>)
    } else {
    }
    %gt3A_78 = arith.constant 2 : i32
    %gt3A_79 = arith.cmpi sgt, %scan3A_15, %gt3A_78 : i32
    %convert_element_type3A_80 = arith.extui %gt3A_79 : i1 to i32
    %cond3A_81 = arith.constant 0 : i32
    %cond3A_82 = arith.cmpi ne, %convert_element_type3A_80, %cond3A_81 : i32
    scf.if %cond3A_82 {
      %get3A = arith.constant 2 : index
      %get3A_134 = tpu.vector_load %arg8[%get3A] {strides = array<i32>} : memref<528xi32, #tpu.memory_space<vmem>>, vector<16xi32>,
      %slice3A = vector.extract_strided_slice %get3A_134 {offsets = [0], sizes = [1], strides = [1]} : vector<16xi32> to vector<1xi32>
      %squeeze3A = vector.extract %slice3A[0] : i32 from vector<1xi32>
      %multiple_of3A = tpu.assume_multiple %squeeze3A, 128 : i32
      %dma_start3A = arith.constant 2 : i32
      %dma_start3A_135 = arith.constant 2 : i32
      %dma_start3A_136 = arith.constant 0 : i32
      %dma_start3A_137 = arith.constant 0 : i32
      %dma_start3A_138 = tpu.memref_slice %arg10[%dma_start3A, %dma_start3A_136, %dma_start3A_137] : memref<10x64x128xf32, #tpu.memory_space<vmem>> -> memref<1x64x128xf32, #tpu.memory_space<vmem>>
      %dma_start3A_139 = tpu.memref_squeeze %dma_start3A_138 : memref<1x64x128xf32, #tpu.memory_space<vmem>> -> memref<64x128xf32, #tpu.memory_space<vmem>>
      %dma_start3A_140 = arith.constant 0 : i32
      %dma_start3A_141 = tpu.memref_slice %arg4[%dma_start3A_140, %multiple_of3A] : memref<64x1000000xf32, #tpu.memory_space<hbm>> -> memref<64x128xf32, #tpu.memory_space<hbm>>
      %dma_start3A_142 = tpu.memref_slice %arg13[%dma_start3A_135] : memref<10x!tpu.dma_semaphore, #tpu.memory_space<semaphore_mem>> -> memref<1x!tpu.dma_semaphore, #tpu.memory_space<semaphore_mem>>
      %dma_start3A_143 = tpu.memref_squeeze %dma_start3A_142 : memref<1x!tpu.dma_semaphore, #tpu.memory_space<semaphore_mem>> -> memref<!tpu.dma_semaphore, #tpu.memory_space<semaphore_mem>>
      %dma_start3A_144 = arith.constant 0 : i32
      %dma_start3A_145 = arith.constant 0 : i32
      %dma_start3A_146 = tpu.memref_slice %arg10[%dma_start3A, %dma_start3A_144, %dma_start3A_145] : memref<10x64x128xf32, #tpu.memory_space<vmem>> -> memref<1x64x128xf32, #tpu.memory_space<vmem>>
      %dma_start3A_147 = tpu.memref_squeeze %dma_start3A_146 : memref<1x64x128xf32, #tpu.memory_space<vmem>> -> memref<64x128xf32, #tpu.memory_space<vmem>>
      %dma_start3A_148 = arith.constant 0 : i32
      %dma_start3A_149 = tpu.memref_slice %arg4[%dma_start3A_148, %multiple_of3A] : memref<64x1000000xf32, #tpu.memory_space<hbm>> -> memref<64x128xf32, #tpu.memory_space<hbm>>
      tpu.enqueue_dma source(%dma_start3A_149 : memref<64x128xf32, #tpu.memory_space<hbm>>) target(%dma_start3A_147 : memref<64x128xf32, #tpu.memory_space<vmem>>) target_semaphore(%dma_start3A_143 : memref<!tpu.dma_semaphore, #tpu.memory_space<semaphore_mem>>)
    } else {
    }
    %gt3A_83 = arith.constant 3 : i32
    %gt3A_84 = arith.cmpi sgt, %scan3A_15, %gt3A_83 : i32
    %convert_element_type3A_85 = arith.extui %gt3A_84 : i1 to i32
    %cond3A_86 = arith.constant 0 : i32
    %cond3A_87 = arith.cmpi ne, %convert_element_type3A_85, %cond3A_86 : i32
    scf.if %cond3A_87 {
      %get3A = arith.constant 3 : index
      %get3A_134 = tpu.vector_load %arg8[%get3A] {strides = array<i32>} : memref<528xi32, #tpu.memory_space<vmem>>, vector<16xi32>,
      %slice3A = vector.extract_strided_slice %get3A_134 {offsets = [0], sizes = [1], strides = [1]} : vector<16xi32> to vector<1xi32>
      %squeeze3A = vector.extract %slice3A[0] : i32 from vector<1xi32>
      %multiple_of3A = tpu.assume_multiple %squeeze3A, 128 : i32
      %dma_start3A = arith.constant 3 : i32
      %dma_start3A_135 = arith.constant 3 : i32
      %dma_start3A_136 = arith.constant 0 : i32
      %dma_start3A_137 = arith.constant 0 : i32
      %dma_start3A_138 = tpu.memref_slice %arg10[%dma_start3A, %dma_start3A_136, %dma_start3A_137] : memref<10x64x128xf32, #tpu.memory_space<vmem>> -> memref<1x64x128xf32, #tpu.memory_space<vmem>>
      %dma_start3A_139 = tpu.memref_squeeze %dma_start3A_138 : memref<1x64x128xf32, #tpu.memory_space<vmem>> -> memref<64x128xf32, #tpu.memory_space<vmem>>
      %dma_start3A_140 = arith.constant 0 : i32
      %dma_start3A_141 = tpu.memref_slice %arg4[%dma_start3A_140, %multiple_of3A] : memref<64x1000000xf32, #tpu.memory_space<hbm>> -> memref<64x128xf32, #tpu.memory_space<hbm>>
      %dma_start3A_142 = tpu.memref_slice %arg13[%dma_start3A_135] : memref<10x!tpu.dma_semaphore, #tpu.memory_space<semaphore_mem>> -> memref<1x!tpu.dma_semaphore, #tpu.memory_space<semaphore_mem>>
      %dma_start3A_143 = tpu.memref_squeeze %dma_start3A_142 : memref<1x!tpu.dma_semaphore, #tpu.memory_space<semaphore_mem>> -> memref<!tpu.dma_semaphore, #tpu.memory_space<semaphore_mem>>
      %dma_start3A_144 = arith.constant 0 : i32
      %dma_start3A_145 = arith.constant 0 : i32
      %dma_start3A_146 = tpu.memref_slice %arg10[%dma_start3A, %dma_start3A_144, %dma_start3A_145] : memref<10x64x128xf32, #tpu.memory_space<vmem>> -> memref<1x64x128xf32, #tpu.memory_space<vmem>>
      %dma_start3A_147 = tpu.memref_squeeze %dma_start3A_146 : memref<1x64x128xf32, #tpu.memory_space<vmem>> -> memref<64x128xf32, #tpu.memory_space<vmem>>
      %dma_start3A_148 = arith.constant 0 : i32
      %dma_start3A_149 = tpu.memref_slice %arg4[%dma_start3A_148, %multiple_of3A] : memref<64x1000000xf32, #tpu.memory_space<hbm>> -> memref<64x128xf32, #tpu.memory_space<hbm>>
      tpu.enqueue_dma source(%dma_start3A_149 : memref<64x128xf32, #tpu.memory_space<hbm>>) target(%dma_start3A_147 : memref<64x128xf32, #tpu.memory_space<vmem>>) target_semaphore(%dma_start3A_143 : memref<!tpu.dma_semaphore, #tpu.memory_space<semaphore_mem>>)
    } else {
    }
    %gt3A_88 = arith.constant 4 : i32
    %gt3A_89 = arith.cmpi sgt, %scan3A_15, %gt3A_88 : i32
    %convert_element_type3A_90 = arith.extui %gt3A_89 : i1 to i32
    %cond3A_91 = arith.constant 0 : i32
    %cond3A_92 = arith.cmpi ne, %convert_element_type3A_90, %cond3A_91 : i32
    scf.if %cond3A_92 {
      %get3A = arith.constant 4 : index
      %get3A_134 = tpu.vector_load %arg8[%get3A] {strides = array<i32>} : memref<528xi32, #tpu.memory_space<vmem>>, vector<16xi32>,
      %slice3A = vector.extract_strided_slice %get3A_134 {offsets = [0], sizes = [1], strides = [1]} : vector<16xi32> to vector<1xi32>
      %squeeze3A = vector.extract %slice3A[0] : i32 from vector<1xi32>
      %multiple_of3A = tpu.assume_multiple %squeeze3A, 128 : i32
      %dma_start3A = arith.constant 4 : i32
      %dma_start3A_135 = arith.constant 4 : i32
      %dma_start3A_136 = arith.constant 0 : i32
      %dma_start3A_137 = arith.constant 0 : i32
      %dma_start3A_138 = tpu.memref_slice %arg10[%dma_start3A, %dma_start3A_136, %dma_start3A_137] : memref<10x64x128xf32, #tpu.memory_space<vmem>> -> memref<1x64x128xf32, #tpu.memory_space<vmem>>
      %dma_start3A_139 = tpu.memref_squeeze %dma_start3A_138 : memref<1x64x128xf32, #tpu.memory_space<vmem>> -> memref<64x128xf32, #tpu.memory_space<vmem>>
      %dma_start3A_140 = arith.constant 0 : i32
      %dma_start3A_141 = tpu.memref_slice %arg4[%dma_start3A_140, %multiple_of3A] : memref<64x1000000xf32, #tpu.memory_space<hbm>> -> memref<64x128xf32, #tpu.memory_space<hbm>>
      %dma_start3A_142 = tpu.memref_slice %arg13[%dma_start3A_135] : memref<10x!tpu.dma_semaphore, #tpu.memory_space<semaphore_mem>> -> memref<1x!tpu.dma_semaphore, #tpu.memory_space<semaphore_mem>>
      %dma_start3A_143 = tpu.memref_squeeze %dma_start3A_142 : memref<1x!tpu.dma_semaphore, #tpu.memory_space<semaphore_mem>> -> memref<!tpu.dma_semaphore, #tpu.memory_space<semaphore_mem>>
      %dma_start3A_144 = arith.constant 0 : i32
      %dma_start3A_145 = arith.constant 0 : i32
      %dma_start3A_146 = tpu.memref_slice %arg10[%dma_start3A, %dma_start3A_144, %dma_start3A_145] : memref<10x64x128xf32, #tpu.memory_space<vmem>> -> memref<1x64x128xf32, #tpu.memory_space<vmem>>
      %dma_start3A_147 = tpu.memref_squeeze %dma_start3A_146 : memref<1x64x128xf32, #tpu.memory_space<vmem>> -> memref<64x128xf32, #tpu.memory_space<vmem>>
      %dma_start3A_148 = arith.constant 0 : i32
      %dma_start3A_149 = tpu.memref_slice %arg4[%dma_start3A_148, %multiple_of3A] : memref<64x1000000xf32, #tpu.memory_space<hbm>> -> memref<64x128xf32, #tpu.memory_space<hbm>>
      tpu.enqueue_dma source(%dma_start3A_149 : memref<64x128xf32, #tpu.memory_space<hbm>>) target(%dma_start3A_147 : memref<64x128xf32, #tpu.memory_space<vmem>>) target_semaphore(%dma_start3A_143 : memref<!tpu.dma_semaphore, #tpu.memory_space<semaphore_mem>>)
    } else {
    }
    %gt3A_93 = arith.constant 5 : i32
    %gt3A_94 = arith.cmpi sgt, %scan3A_15, %gt3A_93 : i32
    %convert_element_type3A_95 = arith.extui %gt3A_94 : i1 to i32
    %cond3A_96 = arith.constant 0 : i32
    %cond3A_97 = arith.cmpi ne, %convert_element_type3A_95, %cond3A_96 : i32
    scf.if %cond3A_97 {
      %get3A = arith.constant 5 : index
      %get3A_134 = tpu.vector_load %arg8[%get3A] {strides = array<i32>} : memref<528xi32, #tpu.memory_space<vmem>>, vector<16xi32>,
      %slice3A = vector.extract_strided_slice %get3A_134 {offsets = [0], sizes = [1], strides = [1]} : vector<16xi32> to vector<1xi32>
      %squeeze3A = vector.extract %slice3A[0] : i32 from vector<1xi32>
      %multiple_of3A = tpu.assume_multiple %squeeze3A, 128 : i32
      %dma_start3A = arith.constant 5 : i32
      %dma_start3A_135 = arith.constant 5 : i32
      %dma_start3A_136 = arith.constant 0 : i32
      %dma_start3A_137 = arith.constant 0 : i32
      %dma_start3A_138 = tpu.memref_slice %arg10[%dma_start3A, %dma_start3A_136, %dma_start3A_137] : memref<10x64x128xf32, #tpu.memory_space<vmem>> -> memref<1x64x128xf32, #tpu.memory_space<vmem>>
      %dma_start3A_139 = tpu.memref_squeeze %dma_start3A_138 : memref<1x64x128xf32, #tpu.memory_space<vmem>> -> memref<64x128xf32, #tpu.memory_space<vmem>>
      %dma_start3A_140 = arith.constant 0 : i32
      %dma_start3A_141 = tpu.memref_slice %arg4[%dma_start3A_140, %multiple_of3A] : memref<64x1000000xf32, #tpu.memory_space<hbm>> -> memref<64x128xf32, #tpu.memory_space<hbm>>
      %dma_start3A_142 = tpu.memref_slice %arg13[%dma_start3A_135] : memref<10x!tpu.dma_semaphore, #tpu.memory_space<semaphore_mem>> -> memref<1x!tpu.dma_semaphore, #tpu.memory_space<semaphore_mem>>
      %dma_start3A_143 = tpu.memref_squeeze %dma_start3A_142 : memref<1x!tpu.dma_semaphore, #tpu.memory_space<semaphore_mem>> -> memref<!tpu.dma_semaphore, #tpu.memory_space<semaphore_mem>>
      %dma_start3A_144 = arith.constant 0 : i32
      %dma_start3A_145 = arith.constant 0 : i32
      %dma_start3A_146 = tpu.memref_slice %arg10[%dma_start3A, %dma_start3A_144, %dma_start3A_145] : memref<10x64x128xf32, #tpu.memory_space<vmem>> -> memref<1x64x128xf32, #tpu.memory_space<vmem>>
      %dma_start3A_147 = tpu.memref_squeeze %dma_start3A_146 : memref<1x64x128xf32, #tpu.memory_space<vmem>> -> memref<64x128xf32, #tpu.memory_space<vmem>>
      %dma_start3A_148 = arith.constant 0 : i32
      %dma_start3A_149 = tpu.memref_slice %arg4[%dma_start3A_148, %multiple_of3A] : memref<64x1000000xf32, #tpu.memory_space<hbm>> -> memref<64x128xf32, #tpu.memory_space<hbm>>
      tpu.enqueue_dma source(%dma_start3A_149 : memref<64x128xf32, #tpu.memory_space<hbm>>) target(%dma_start3A_147 : memref<64x128xf32, #tpu.memory_space<vmem>>) target_semaphore(%dma_start3A_143 : memref<!tpu.dma_semaphore, #tpu.memory_space<semaphore_mem>>)
    } else {
    }
    %gt3A_98 = arith.constant 6 : i32
    %gt3A_99 = arith.cmpi sgt, %scan3A_15, %gt3A_98 : i32
    %convert_element_type3A_100 = arith.extui %gt3A_99 : i1 to i32
    %cond3A_101 = arith.constant 0 : i32
    %cond3A_102 = arith.cmpi ne, %convert_element_type3A_100, %cond3A_101 : i32
    scf.if %cond3A_102 {
      %get3A = arith.constant 6 : index
      %get3A_134 = tpu.vector_load %arg8[%get3A] {strides = array<i32>} : memref<528xi32, #tpu.memory_space<vmem>>, vector<16xi32>,
      %slice3A = vector.extract_strided_slice %get3A_134 {offsets = [0], sizes = [1], strides = [1]} : vector<16xi32> to vector<1xi32>
      %squeeze3A = vector.extract %slice3A[0] : i32 from vector<1xi32>
      %multiple_of3A = tpu.assume_multiple %squeeze3A, 128 : i32
      %dma_start3A = arith.constant 6 : i32
      %dma_start3A_135 = arith.constant 6 : i32
      %dma_start3A_136 = arith.constant 0 : i32
      %dma_start3A_137 = arith.constant 0 : i32
      %dma_start3A_138 = tpu.memref_slice %arg10[%dma_start3A, %dma_start3A_136, %dma_start3A_137] : memref<10x64x128xf32, #tpu.memory_space<vmem>> -> memref<1x64x128xf32, #tpu.memory_space<vmem>>
      %dma_start3A_139 = tpu.memref_squeeze %dma_start3A_138 : memref<1x64x128xf32, #tpu.memory_space<vmem>> -> memref<64x128xf32, #tpu.memory_space<vmem>>
      %dma_start3A_140 = arith.constant 0 : i32
      %dma_start3A_141 = tpu.memref_slice %arg4[%dma_start3A_140, %multiple_of3A] : memref<64x1000000xf32, #tpu.memory_space<hbm>> -> memref<64x128xf32, #tpu.memory_space<hbm>>
      %dma_start3A_142 = tpu.memref_slice %arg13[%dma_start3A_135] : memref<10x!tpu.dma_semaphore, #tpu.memory_space<semaphore_mem>> -> memref<1x!tpu.dma_semaphore, #tpu.memory_space<semaphore_mem>>
      %dma_start3A_143 = tpu.memref_squeeze %dma_start3A_142 : memref<1x!tpu.dma_semaphore, #tpu.memory_space<semaphore_mem>> -> memref<!tpu.dma_semaphore, #tpu.memory_space<semaphore_mem>>
      %dma_start3A_144 = arith.constant 0 : i32
      %dma_start3A_145 = arith.constant 0 : i32
      %dma_start3A_146 = tpu.memref_slice %arg10[%dma_start3A, %dma_start3A_144, %dma_start3A_145] : memref<10x64x128xf32, #tpu.memory_space<vmem>> -> memref<1x64x128xf32, #tpu.memory_space<vmem>>
      %dma_start3A_147 = tpu.memref_squeeze %dma_start3A_146 : memref<1x64x128xf32, #tpu.memory_space<vmem>> -> memref<64x128xf32, #tpu.memory_space<vmem>>
      %dma_start3A_148 = arith.constant 0 : i32
      %dma_start3A_149 = tpu.memref_slice %arg4[%dma_start3A_148, %multiple_of3A] : memref<64x1000000xf32, #tpu.memory_space<hbm>> -> memref<64x128xf32, #tpu.memory_space<hbm>>
      tpu.enqueue_dma source(%dma_start3A_149 : memref<64x128xf32, #tpu.memory_space<hbm>>) target(%dma_start3A_147 : memref<64x128xf32, #tpu.memory_space<vmem>>) target_semaphore(%dma_start3A_143 : memref<!tpu.dma_semaphore, #tpu.memory_space<semaphore_mem>>)
    } else {
    }
    %gt3A_103 = arith.constant 7 : i32
    %gt3A_104 = arith.cmpi sgt, %scan3A_15, %gt3A_103 : i32
    %convert_element_type3A_105 = arith.extui %gt3A_104 : i1 to i32
    %cond3A_106 = arith.constant 0 : i32
    %cond3A_107 = arith.cmpi ne, %convert_element_type3A_105, %cond3A_106 : i32
    scf.if %cond3A_107 {
      %get3A = arith.constant 7 : index
      %get3A_134 = tpu.vector_load %arg8[%get3A] {strides = array<i32>} : memref<528xi32, #tpu.memory_space<vmem>>, vector<16xi32>,
      %slice3A = vector.extract_strided_slice %get3A_134 {offsets = [0], sizes = [1], strides = [1]} : vector<16xi32> to vector<1xi32>
      %squeeze3A = vector.extract %slice3A[0] : i32 from vector<1xi32>
      %multiple_of3A = tpu.assume_multiple %squeeze3A, 128 : i32
      %dma_start3A = arith.constant 7 : i32
      %dma_start3A_135 = arith.constant 7 : i32
      %dma_start3A_136 = arith.constant 0 : i32
      %dma_start3A_137 = arith.constant 0 : i32
      %dma_start3A_138 = tpu.memref_slice %arg10[%dma_start3A, %dma_start3A_136, %dma_start3A_137] : memref<10x64x128xf32, #tpu.memory_space<vmem>> -> memref<1x64x128xf32, #tpu.memory_space<vmem>>
      %dma_start3A_139 = tpu.memref_squeeze %dma_start3A_138 : memref<1x64x128xf32, #tpu.memory_space<vmem>> -> memref<64x128xf32, #tpu.memory_space<vmem>>
      %dma_start3A_140 = arith.constant 0 : i32
      %dma_start3A_141 = tpu.memref_slice %arg4[%dma_start3A_140, %multiple_of3A] : memref<64x1000000xf32, #tpu.memory_space<hbm>> -> memref<64x128xf32, #tpu.memory_space<hbm>>
      %dma_start3A_142 = tpu.memref_slice %arg13[%dma_start3A_135] : memref<10x!tpu.dma_semaphore, #tpu.memory_space<semaphore_mem>> -> memref<1x!tpu.dma_semaphore, #tpu.memory_space<semaphore_mem>>
      %dma_start3A_143 = tpu.memref_squeeze %dma_start3A_142 : memref<1x!tpu.dma_semaphore, #tpu.memory_space<semaphore_mem>> -> memref<!tpu.dma_semaphore, #tpu.memory_space<semaphore_mem>>
      %dma_start3A_144 = arith.constant 0 : i32
      %dma_start3A_145 = arith.constant 0 : i32
      %dma_start3A_146 = tpu.memref_slice %arg10[%dma_start3A, %dma_start3A_144, %dma_start3A_145] : memref<10x64x128xf32, #tpu.memory_space<vmem>> -> memref<1x64x128xf32, #tpu.memory_space<vmem>>
      %dma_start3A_147 = tpu.memref_squeeze %dma_start3A_146 : memref<1x64x128xf32, #tpu.memory_space<vmem>> -> memref<64x128xf32, #tpu.memory_space<vmem>>
      %dma_start3A_148 = arith.constant 0 : i32
      %dma_start3A_149 = tpu.memref_slice %arg4[%dma_start3A_148, %multiple_of3A] : memref<64x1000000xf32, #tpu.memory_space<hbm>> -> memref<64x128xf32, #tpu.memory_space<hbm>>
      tpu.enqueue_dma source(%dma_start3A_149 : memref<64x128xf32, #tpu.memory_space<hbm>>) target(%dma_start3A_147 : memref<64x128xf32, #tpu.memory_space<vmem>>) target_semaphore(%dma_start3A_143 : memref<!tpu.dma_semaphore, #tpu.memory_space<semaphore_mem>>)
    } else {
    }
    %gt3A_108 = arith.constant 8 : i32
    %gt3A_109 = arith.cmpi sgt, %scan3A_15, %gt3A_108 : i32
    %convert_element_type3A_110 = arith.extui %gt3A_109 : i1 to i32
    %cond3A_111 = arith.constant 0 : i32
    %cond3A_112 = arith.cmpi ne, %convert_element_type3A_110, %cond3A_111 : i32
    scf.if %cond3A_112 {
      %get3A = arith.constant 8 : index
      %get3A_134 = tpu.vector_load %arg8[%get3A] {strides = array<i32>} : memref<528xi32, #tpu.memory_space<vmem>>, vector<16xi32>,
      %slice3A = vector.extract_strided_slice %get3A_134 {offsets = [0], sizes = [1], strides = [1]} : vector<16xi32> to vector<1xi32>
      %squeeze3A = vector.extract %slice3A[0] : i32 from vector<1xi32>
      %multiple_of3A = tpu.assume_multiple %squeeze3A, 128 : i32
      %dma_start3A = arith.constant 8 : i32
      %dma_start3A_135 = arith.constant 8 : i32
      %dma_start3A_136 = arith.constant 0 : i32
      %dma_start3A_137 = arith.constant 0 : i32
      %dma_start3A_138 = tpu.memref_slice %arg10[%dma_start3A, %dma_start3A_136, %dma_start3A_137] : memref<10x64x128xf32, #tpu.memory_space<vmem>> -> memref<1x64x128xf32, #tpu.memory_space<vmem>>
      %dma_start3A_139 = tpu.memref_squeeze %dma_start3A_138 : memref<1x64x128xf32, #tpu.memory_space<vmem>> -> memref<64x128xf32, #tpu.memory_space<vmem>>
      %dma_start3A_140 = arith.constant 0 : i32
      %dma_start3A_141 = tpu.memref_slice %arg4[%dma_start3A_140, %multiple_of3A] : memref<64x1000000xf32, #tpu.memory_space<hbm>> -> memref<64x128xf32, #tpu.memory_space<hbm>>
      %dma_start3A_142 = tpu.memref_slice %arg13[%dma_start3A_135] : memref<10x!tpu.dma_semaphore, #tpu.memory_space<semaphore_mem>> -> memref<1x!tpu.dma_semaphore, #tpu.memory_space<semaphore_mem>>
      %dma_start3A_143 = tpu.memref_squeeze %dma_start3A_142 : memref<1x!tpu.dma_semaphore, #tpu.memory_space<semaphore_mem>> -> memref<!tpu.dma_semaphore, #tpu.memory_space<semaphore_mem>>
      %dma_start3A_144 = arith.constant 0 : i32
      %dma_start3A_145 = arith.constant 0 : i32
      %dma_start3A_146 = tpu.memref_slice %arg10[%dma_start3A, %dma_start3A_144, %dma_start3A_145] : memref<10x64x128xf32, #tpu.memory_space<vmem>> -> memref<1x64x128xf32, #tpu.memory_space<vmem>>
      %dma_start3A_147 = tpu.memref_squeeze %dma_start3A_146 : memref<1x64x128xf32, #tpu.memory_space<vmem>> -> memref<64x128xf32, #tpu.memory_space<vmem>>
      %dma_start3A_148 = arith.constant 0 : i32
      %dma_start3A_149 = tpu.memref_slice %arg4[%dma_start3A_148, %multiple_of3A] : memref<64x1000000xf32, #tpu.memory_space<hbm>> -> memref<64x128xf32, #tpu.memory_space<hbm>>
      tpu.enqueue_dma source(%dma_start3A_149 : memref<64x128xf32, #tpu.memory_space<hbm>>) target(%dma_start3A_147 : memref<64x128xf32, #tpu.memory_space<vmem>>) target_semaphore(%dma_start3A_143 : memref<!tpu.dma_semaphore, #tpu.memory_space<semaphore_mem>>)
    } else {
    }
    %gt3A_113 = arith.constant 9 : i32
    %gt3A_114 = arith.cmpi sgt, %scan3A_15, %gt3A_113 : i32
    %convert_element_type3A_115 = arith.extui %gt3A_114 : i1 to i32
    %cond3A_116 = arith.constant 0 : i32
    %cond3A_117 = arith.cmpi ne, %convert_element_type3A_115, %cond3A_116 : i32
    scf.if %cond3A_117 {
      %get3A = arith.constant 9 : index
      %get3A_134 = tpu.vector_load %arg8[%get3A] {strides = array<i32>} : memref<528xi32, #tpu.memory_space<vmem>>, vector<16xi32>,
      %slice3A = vector.extract_strided_slice %get3A_134 {offsets = [0], sizes = [1], strides = [1]} : vector<16xi32> to vector<1xi32>
      %squeeze3A = vector.extract %slice3A[0] : i32 from vector<1xi32>
      %multiple_of3A = tpu.assume_multiple %squeeze3A, 128 : i32
      %dma_start3A = arith.constant 9 : i32
      %dma_start3A_135 = arith.constant 9 : i32
      %dma_start3A_136 = arith.constant 0 : i32
      %dma_start3A_137 = arith.constant 0 : i32
      %dma_start3A_138 = tpu.memref_slice %arg10[%dma_start3A, %dma_start3A_136, %dma_start3A_137] : memref<10x64x128xf32, #tpu.memory_space<vmem>> -> memref<1x64x128xf32, #tpu.memory_space<vmem>>
      %dma_start3A_139 = tpu.memref_squeeze %dma_start3A_138 : memref<1x64x128xf32, #tpu.memory_space<vmem>> -> memref<64x128xf32, #tpu.memory_space<vmem>>
      %dma_start3A_140 = arith.constant 0 : i32
      %dma_start3A_141 = tpu.memref_slice %arg4[%dma_start3A_140, %multiple_of3A] : memref<64x1000000xf32, #tpu.memory_space<hbm>> -> memref<64x128xf32, #tpu.memory_space<hbm>>
      %dma_start3A_142 = tpu.memref_slice %arg13[%dma_start3A_135] : memref<10x!tpu.dma_semaphore, #tpu.memory_space<semaphore_mem>> -> memref<1x!tpu.dma_semaphore, #tpu.memory_space<semaphore_mem>>
      %dma_start3A_143 = tpu.memref_squeeze %dma_start3A_142 : memref<1x!tpu.dma_semaphore, #tpu.memory_space<semaphore_mem>> -> memref<!tpu.dma_semaphore, #tpu.memory_space<semaphore_mem>>
      %dma_start3A_144 = arith.constant 0 : i32
      %dma_start3A_145 = arith.constant 0 : i32
      %dma_start3A_146 = tpu.memref_slice %arg10[%dma_start3A, %dma_start3A_144, %dma_start3A_145] : memref<10x64x128xf32, #tpu.memory_space<vmem>> -> memref<1x64x128xf32, #tpu.memory_space<vmem>>
      %dma_start3A_147 = tpu.memref_squeeze %dma_start3A_146 : memref<1x64x128xf32, #tpu.memory_space<vmem>> -> memref<64x128xf32, #tpu.memory_space<vmem>>
      %dma_start3A_148 = arith.constant 0 : i32
      %dma_start3A_149 = tpu.memref_slice %arg4[%dma_start3A_148, %multiple_of3A] : memref<64x1000000xf32, #tpu.memory_space<hbm>> -> memref<64x128xf32, #tpu.memory_space<hbm>>
      tpu.enqueue_dma source(%dma_start3A_149 : memref<64x128xf32, #tpu.memory_space<hbm>>) target(%dma_start3A_147 : memref<64x128xf32, #tpu.memory_space<vmem>>) target_semaphore(%dma_start3A_143 : memref<!tpu.dma_semaphore, #tpu.memory_space<semaphore_mem>>)
    } else {
    }
    %while3A = arith.constant 0 : i32
    %while3A_118 = arith.constant 0 : i32
    %while3A_119 = arith.subi %scan3A_15, %while3A : i32
    %while3A_120 = arith.addi %while3A, %while3A_119 : i32
    %while3A_121 = arith.constant 1 : i32
    %while3A_122 = arith.divsi %while3A_119, %while3A_121 : i32
    %while3A_123 = arith.muli %while3A_122, %while3A_121 : i32
    %while3A_124 = arith.addi %while3A, %while3A_123 : i32
    %while3A_125 = arith.constant 1 : i32
    %while3A_126 = scf.for %while3A_134 = %while3A to %while3A_124 step %while3A_125 iter_args(%while3A_135 = %while3A_118) -> (i32)  : i32 {
      %rem3A = arith.constant 10 : i32
      %rem3A_136 = arith.remsi %while3A_134, %rem3A : i32
      %dma_wait3A = arith.constant 0 : i32
      %dma_wait3A_137 = arith.constant 0 : i32
      %dma_wait3A_138 = tpu.memref_slice %arg10[%rem3A_136, %dma_wait3A, %dma_wait3A_137] : memref<10x64x128xf32, #tpu.memory_space<vmem>> -> memref<1x64x128xf32, #tpu.memory_space<vmem>>
      %dma_wait3A_139 = tpu.memref_squeeze %dma_wait3A_138 : memref<1x64x128xf32, #tpu.memory_space<vmem>> -> memref<64x128xf32, #tpu.memory_space<vmem>>
      %dma_wait3A_140 = arith.constant 0 : i32
      %dma_wait3A_141 = arith.constant 0 : i32
      %dma_wait3A_142 = tpu.memref_slice %arg4[%dma_wait3A_140, %dma_wait3A_141] : memref<64x1000000xf32, #tpu.memory_space<hbm>> -> memref<64x128xf32, #tpu.memory_space<hbm>>
      %dma_wait3A_143 = tpu.memref_slice %arg13[%rem3A_136] : memref<10x!tpu.dma_semaphore, #tpu.memory_space<semaphore_mem>> -> memref<1x!tpu.dma_semaphore, #tpu.memory_space<semaphore_mem>>
      %dma_wait3A_144 = tpu.memref_squeeze %dma_wait3A_143 : memref<1x!tpu.dma_semaphore, #tpu.memory_space<semaphore_mem>> -> memref<!tpu.dma_semaphore, #tpu.memory_space<semaphore_mem>>
      %dma_wait3A_145 = arith.constant 0 : i32
      %dma_wait3A_146 = arith.constant 0 : i32
      %dma_wait3A_147 = tpu.memref_slice %arg10[%rem3A_136, %dma_wait3A_145, %dma_wait3A_146] : memref<10x64x128xf32, #tpu.memory_space<vmem>> -> memref<1x64x128xf32, #tpu.memory_space<vmem>>
      %dma_wait3A_148 = tpu.memref_squeeze %dma_wait3A_147 : memref<1x64x128xf32, #tpu.memory_space<vmem>> -> memref<64x128xf32, #tpu.memory_space<vmem>>
      %dma_wait3A_149 = arith.constant 0 : i32
      %dma_wait3A_150 = arith.constant 0 : i32
      %dma_wait3A_151 = tpu.memref_slice %arg4[%dma_wait3A_149, %dma_wait3A_150] : memref<64x1000000xf32, #tpu.memory_space<hbm>> -> memref<64x128xf32, #tpu.memory_space<hbm>>
      tpu.wait_dma2 semaphore(%dma_wait3A_144 : memref<!tpu.dma_semaphore, #tpu.memory_space<semaphore_mem>>) src(%dma_wait3A_151 : memref<64x128xf32, #tpu.memory_space<hbm>>) dst(%dma_wait3A_148 : memref<64x128xf32, #tpu.memory_space<vmem>>)
      %add3A_152 = arith.constant 10 : i32
      %add3A_153 = arith.addi %while3A_134, %add3A_152 : i32
      %lt3A = arith.cmpi slt, %add3A_153, %scan3A_15 : i32
      %convert_element_type3A_154 = arith.extui %lt3A : i1 to i32
      %cond3A_155 = arith.constant 0 : i32
      %cond3A_156 = arith.cmpi ne, %convert_element_type3A_154, %cond3A_155 : i32
      scf.if %cond3A_156 {
        %add3A_175 = arith.constant 10 : i32
        %add3A_176 = arith.addi %while3A_134, %add3A_175 : i32
        %get3A_177 = arith.index_cast %add3A_176 : i32 to index
        %get3A_178 = tpu.vector_load %arg8[%get3A_177] {strides = array<i32>} : memref<528xi32, #tpu.memory_space<vmem>>, vector<16xi32>,
        %slice3A_179 = vector.extract_strided_slice %get3A_178 {offsets = [0], sizes = [1], strides = [1]} : vector<16xi32> to vector<1xi32>
        %squeeze3A_180 = vector.extract %slice3A_179[0] : i32 from vector<1xi32>
        %multiple_of3A = tpu.assume_multiple %squeeze3A_180, 128 : i32
        %dma_start3A = arith.constant 0 : i32
        %dma_start3A_181 = arith.constant 0 : i32
        %dma_start3A_182 = tpu.memref_slice %arg10[%rem3A_136, %dma_start3A, %dma_start3A_181] : memref<10x64x128xf32, #tpu.memory_space<vmem>> -> memref<1x64x128xf32, #tpu.memory_space<vmem>>
        %dma_start3A_183 = tpu.memref_squeeze %dma_start3A_182 : memref<1x64x128xf32, #tpu.memory_space<vmem>> -> memref<64x128xf32, #tpu.memory_space<vmem>>
        %dma_start3A_184 = arith.constant 0 : i32
        %dma_start3A_185 = tpu.memref_slice %arg4[%dma_start3A_184, %multiple_of3A] : memref<64x1000000xf32, #tpu.memory_space<hbm>> -> memref<64x128xf32, #tpu.memory_space<hbm>>
        %dma_start3A_186 = tpu.memref_slice %arg13[%rem3A_136] : memref<10x!tpu.dma_semaphore, #tpu.memory_space<semaphore_mem>> -> memref<1x!tpu.dma_semaphore, #tpu.memory_space<semaphore_mem>>
        %dma_start3A_187 = tpu.memref_squeeze %dma_start3A_186 : memref<1x!tpu.dma_semaphore, #tpu.memory_space<semaphore_mem>> -> memref<!tpu.dma_semaphore, #tpu.memory_space<semaphore_mem>>
        %dma_start3A_188 = arith.constant 0 : i32
        %dma_start3A_189 = arith.constant 0 : i32
        %dma_start3A_190 = tpu.memref_slice %arg10[%rem3A_136, %dma_start3A_188, %dma_start3A_189] : memref<10x64x128xf32, #tpu.memory_space<vmem>> -> memref<1x64x128xf32, #tpu.memory_space<vmem>>
        %dma_start3A_191 = tpu.memref_squeeze %dma_start3A_190 : memref<1x64x128xf32, #tpu.memory_space<vmem>> -> memref<64x128xf32, #tpu.memory_space<vmem>>
        %dma_start3A_192 = arith.constant 0 : i32
        %dma_start3A_193 = tpu.memref_slice %arg4[%dma_start3A_192, %multiple_of3A] : memref<64x1000000xf32, #tpu.memory_space<hbm>> -> memref<64x128xf32, #tpu.memory_space<hbm>>
        tpu.enqueue_dma source(%dma_start3A_193 : memref<64x128xf32, #tpu.memory_space<hbm>>) target(%dma_start3A_191 : memref<64x128xf32, #tpu.memory_space<vmem>>) target_semaphore(%dma_start3A_187 : memref<!tpu.dma_semaphore, #tpu.memory_space<semaphore_mem>>)
      } else {
      }
      %broadcast_in_dim3A_157 = vector.broadcast %rem3A_136 : i32 to vector<16xi32>
      %get3A = arith.index_cast %while3A_134 : i32 to index
      %get3A_158 = tpu.vector_load %arg9[%get3A] {strides = array<i32>} : memref<544xi32, #tpu.memory_space<vmem>>, vector<16xi32>,
      %slice3A = vector.extract_strided_slice %get3A_158 {offsets = [0], sizes = [1], strides = [1]} : vector<16xi32> to vector<1xi32>
      %squeeze3A = vector.extract %slice3A[0] : i32 from vector<1xi32>
      %add3A_159 = arith.constant 1 : i32
      %add3A_160 = arith.addi %while3A_134, %add3A_159 : i32
      %get3A_161 = arith.index_cast %add3A_160 : i32 to index
      %get3A_162 = tpu.vector_load %arg9[%get3A_161] {strides = array<i32>} : memref<544xi32, #tpu.memory_space<vmem>>, vector<16xi32>,
      %slice3A_163 = vector.extract_strided_slice %get3A_162 {offsets = [0], sizes = [1], strides = [1]} : vector<16xi32> to vector<1xi32>
      %squeeze3A_164 = vector.extract %slice3A_163[0] : i32 from vector<1xi32>
      %while3A_165 = arith.subi %squeeze3A_164, %squeeze3A : i32
      %while3A_166 = arith.addi %squeeze3A, %while3A_165 : i32
      %while3A_167 = arith.constant 1 : i32
      %while3A_168 = arith.divsi %while3A_165, %while3A_167 : i32
      %while3A_169 = arith.muli %while3A_168, %while3A_167 : i32
      %while3A_170 = arith.addi %squeeze3A, %while3A_169 : i32
      %while3A_171 = arith.constant 1 : i32
      %while3A_172 = scf.for %while3A_175 = %squeeze3A to %while3A_170 step %while3A_171 iter_args(%while3A_176 = %while3A_135) -> (i32)  : i32 {
        %add3A_177 = arith.constant 128 : i32
        %add3A_178 = arith.addi %add3A_177, %while3A_175 : i32
        %get3A_179 = arith.constant 0 : i32
        %get3A_180 = arith.index_cast %get3A_179 : i32 to index
        %get3A_181 = arith.index_cast %add3A_178 : i32 to index
        %get3A_182 = tpu.vector_load %arg6[%get3A_180, %get3A_181] {strides = array<i32>} : memref<1x656xi32, #tpu.memory_space<vmem>>, vector<16xi32>,
        %slice3A_183 = vector.extract_strided_slice %get3A_182 {offsets = [0], sizes = [1], strides = [1]} : vector<16xi32> to vector<1xi32>
        %squeeze3A_184 = vector.extract %slice3A_183[0] : i32 from vector<1xi32>
        %and3A = arith.constant 127 : i32
        %and3A_185 = arith.andi %squeeze3A_184, %and3A : i32
        %get3A_186 = arith.constant 0 : i32
        %get3A_187 = arith.index_cast %get3A_186 : i32 to index
        %get3A_188 = arith.index_cast %while3A_175 : i32 to index
        %get3A_189 = tpu.vector_load %arg7[%get3A_187, %get3A_188] {strides = array<i32>} : memref<1x528xi32, #tpu.memory_space<vmem>>, vector<16xi32>,
        %slice3A_190 = vector.extract_strided_slice %get3A_189 {offsets = [0], sizes = [1], strides = [1]} : vector<16xi32> to vector<1xi32>
        %squeeze3A_191 = vector.extract %slice3A_190[0] : i32 from vector<1xi32>
        %broadcast_in_dim3A_192 = vector.broadcast %and3A_185 : i32 to vector<16xi32>
        %iota3A_193 = tpu.iota {dimensions = array<i32: 0>} : vector<16xi32>
        %add3A_194 = arith.constant 0 : i32
        %add3A_195 = vector.broadcast %add3A_194 : i32 to vector<16xi32>
        %add3A_196 = arith.addi %iota3A_193, %add3A_195 : vector<16xi32>
        %gather3A = tpu.vector_load_idx %arg10[%broadcast_in_dim3A_157, %add3A_196, %broadcast_in_dim3A_192] : memref<10x64x128xf32, #tpu.memory_space<vmem>>[vector<16xi32>, vector<16xi32>, vector<16xi32>], vector<16xf32>,
        %swap3A_197 = arith.index_cast %while3A_176 : i32 to index
        %swap3A_198 = arith.constant 0 : index
        %swap3A_199 = tpu.vector_load %arg11[%swap3A_197, %swap3A_198] {strides = array<i32>} : memref<128x128xf32, #tpu.memory_space<vmem>>, vector<16xf32>,
        tpu.vector_store %arg11[%swap3A_197, %swap3A_198], %gather3A {strides = array<i32>} : memref<128x128xf32, #tpu.memory_space<vmem>>, vector<16xf32>,
        %iota3A_200 = tpu.iota {dimensions = array<i32: 0>} : vector<16xi32>
        %add3A_201 = arith.constant 16 : i32
        %add3A_202 = vector.broadcast %add3A_201 : i32 to vector<16xi32>
        %add3A_203 = arith.addi %iota3A_200, %add3A_202 : vector<16xi32>
        %gather3A_204 = tpu.vector_load_idx %arg10[%broadcast_in_dim3A_157, %add3A_203, %broadcast_in_dim3A_192] : memref<10x64x128xf32, #tpu.memory_space<vmem>>[vector<16xi32>, vector<16xi32>, vector<16xi32>], vector<16xf32>,
        %swap3A_205 = arith.index_cast %while3A_176 : i32 to index
        %swap3A_206 = arith.constant 16 : index
        %swap3A_207 = tpu.vector_load %arg11[%swap3A_205, %swap3A_206] {strides = array<i32>} : memref<128x128xf32, #tpu.memory_space<vmem>>, vector<16xf32>,
        tpu.vector_store %arg11[%swap3A_205, %swap3A_206], %gather3A_204 {strides = array<i32>} : memref<128x128xf32, #tpu.memory_space<vmem>>, vector<16xf32>,
        %iota3A_208 = tpu.iota {dimensions = array<i32: 0>} : vector<16xi32>
        %add3A_209 = arith.constant 32 : i32
        %add3A_210 = vector.broadcast %add3A_209 : i32 to vector<16xi32>
        %add3A_211 = arith.addi %iota3A_208, %add3A_210 : vector<16xi32>
        %gather3A_212 = tpu.vector_load_idx %arg10[%broadcast_in_dim3A_157, %add3A_211, %broadcast_in_dim3A_192] : memref<10x64x128xf32, #tpu.memory_space<vmem>>[vector<16xi32>, vector<16xi32>, vector<16xi32>], vector<16xf32>,
        %swap3A_213 = arith.index_cast %while3A_176 : i32 to index
        %swap3A_214 = arith.constant 32 : index
        %swap3A_215 = tpu.vector_load %arg11[%swap3A_213, %swap3A_214] {strides = array<i32>} : memref<128x128xf32, #tpu.memory_space<vmem>>, vector<16xf32>,
        tpu.vector_store %arg11[%swap3A_213, %swap3A_214], %gather3A_212 {strides = array<i32>} : memref<128x128xf32, #tpu.memory_space<vmem>>, vector<16xf32>,
        %iota3A_216 = tpu.iota {dimensions = array<i32: 0>} : vector<16xi32>
        %add3A_217 = arith.constant 48 : i32
        %add3A_218 = vector.broadcast %add3A_217 : i32 to vector<16xi32>
        %add3A_219 = arith.addi %iota3A_216, %add3A_218 : vector<16xi32>
        %gather3A_220 = tpu.vector_load_idx %arg10[%broadcast_in_dim3A_157, %add3A_219, %broadcast_in_dim3A_192] : memref<10x64x128xf32, #tpu.memory_space<vmem>>[vector<16xi32>, vector<16xi32>, vector<16xi32>], vector<16xf32>,
        %swap3A_221 = arith.index_cast %while3A_176 : i32 to index
        %swap3A_222 = arith.constant 48 : index
        %swap3A_223 = tpu.vector_load %arg11[%swap3A_221, %swap3A_222] {strides = array<i32>} : memref<128x128xf32, #tpu.memory_space<vmem>>, vector<16xf32>,
        tpu.vector_store %arg11[%swap3A_221, %swap3A_222], %gather3A_220 {strides = array<i32>} : memref<128x128xf32, #tpu.memory_space<vmem>>, vector<16xf32>,
        %broadcast_in_dim3A_224 = vector.broadcast %while3A_176 : i32 to vector<16xi32>
        %broadcast_in_dim3A_225 = vector.broadcast %squeeze3A_191 : i32 to vector<16xi32>
        %iota3A_226 = tpu.iota {dimensions = array<i32: 0>} : vector<16xi32>
        %eq3A_227 = arith.constant 0 : i32
        %eq3A_228 = vector.broadcast %eq3A_227 : i32 to vector<16xi32>
        %eq3A_229 = arith.cmpi eq, %iota3A_226, %eq3A_228 : vector<16xi32>
        tpu.vector_store_idx %arg12[%broadcast_in_dim3A_224], %broadcast_in_dim3A_225 masked %eq3A_229 : memref<128xi32, #tpu.memory_space<vmem>>[vector<16xi32>], vector<16xi32>, vector<16xi1>
        %add3A_230 = arith.constant 1 : i32
        %add3A_231 = arith.addi %while3A_176, %add3A_230 : i32
        %eq3A_232 = arith.constant 128 : i32
        %eq3A_233 = arith.cmpi eq, %add3A_231, %eq3A_232 : i32
        %convert_element_type3A_234 = arith.extui %eq3A_233 : i1 to i32
        %cond3A_235 = arith.constant 0 : i32
        %cond3A_236 = arith.cmpi ne, %convert_element_type3A_234, %cond3A_235 : i32
        scf.if %cond3A_236 {
          %dma_start3A = arith.constant 0 : i32
          %dma_start3A_239 = arith.constant 0 : i32
          %dma_start3A_240 = tpu.memref_slice %arg5[%dma_start3A, %dma_start3A_239] : memref<16512x128xf32, #tpu.memory_space<hbm>> -> memref<16512x128xf32, #tpu.memory_space<hbm>>
          tpu.enqueue_indirect_dma source(%arg11 : memref<128x128xf32, #tpu.memory_space<vmem>>) target(%dma_start3A_240 : memref<16512x128xf32, #tpu.memory_space<hbm>>) offsets(%arg12 : memref<128xi32, #tpu.memory_space<vmem>>) semaphore(%arg14 : memref<!tpu.dma_semaphore, #tpu.memory_space<semaphore_mem>>)
          %dma_wait3A_241 = arith.constant 0 : i32
          %dma_wait3A_242 = arith.constant 0 : i32
          %dma_wait3A_243 = tpu.memref_slice %arg5[%dma_wait3A_241, %dma_wait3A_242] : memref<16512x128xf32, #tpu.memory_space<hbm>> -> memref<16512x128xf32, #tpu.memory_space<hbm>>
          tpu.wait_indirect_dma semaphore(%arg14 : memref<!tpu.dma_semaphore, #tpu.memory_space<semaphore_mem>>) src(%arg11 : memref<128x128xf32, #tpu.memory_space<vmem>>) dst(%dma_wait3A_243 : memref<16512x128xf32, #tpu.memory_space<hbm>>)
          %iota3A_244 = tpu.iota {dimensions = array<i32: 0>} : vector<16xi32>
          %add3A_245 = arith.constant 16384 : i32
          %add3A_246 = vector.broadcast %add3A_245 : i32 to vector<16xi32>
          %add3A_247 = arith.addi %iota3A_244, %add3A_246 : vector<16xi32>
          %swap3A_248 = arith.constant 0 : index
          %swap3A_249 = tpu.vector_load %arg12[%swap3A_248] {strides = array<i32>} : memref<128xi32, #tpu.memory_space<vmem>>, vector<16xi32>,
          tpu.vector_store %arg12[%swap3A_248], %add3A_247 {strides = array<i32>} : memref<128xi32, #tpu.memory_space<vmem>>, vector<16xi32>,
          %iota3A_250 = tpu.iota {dimensions = array<i32: 0>} : vector<16xi32>
          %add3A_251 = arith.constant 16400 : i32
          %add3A_252 = vector.broadcast %add3A_251 : i32 to vector<16xi32>
          %add3A_253 = arith.addi %iota3A_250, %add3A_252 : vector<16xi32>
          %swap3A_254 = arith.constant 16 : index
          %swap3A_255 = tpu.vector_load %arg12[%swap3A_254] {strides = array<i32>} : memref<128xi32, #tpu.memory_space<vmem>>, vector<16xi32>,
          tpu.vector_store %arg12[%swap3A_254], %add3A_253 {strides = array<i32>} : memref<128xi32, #tpu.memory_space<vmem>>, vector<16xi32>,
          %iota3A_256 = tpu.iota {dimensions = array<i32: 0>} : vector<16xi32>
          %add3A_257 = arith.constant 16416 : i32
          %add3A_258 = vector.broadcast %add3A_257 : i32 to vector<16xi32>
          %add3A_259 = arith.addi %iota3A_256, %add3A_258 : vector<16xi32>
          %swap3A_260 = arith.constant 32 : index
          %swap3A_261 = tpu.vector_load %arg12[%swap3A_260] {strides = array<i32>} : memref<128xi32, #tpu.memory_space<vmem>>, vector<16xi32>,
          tpu.vector_store %arg12[%swap3A_260], %add3A_259 {strides = array<i32>} : memref<128xi32, #tpu.memory_space<vmem>>, vector<16xi32>,
          %iota3A_262 = tpu.iota {dimensions = array<i32: 0>} : vector<16xi32>
          %add3A_263 = arith.constant 16432 : i32
          %add3A_264 = vector.broadcast %add3A_263 : i32 to vector<16xi32>
          %add3A_265 = arith.addi %iota3A_262, %add3A_264 : vector<16xi32>
          %swap3A_266 = arith.constant 48 : index
          %swap3A_267 = tpu.vector_load %arg12[%swap3A_266] {strides = array<i32>} : memref<128xi32, #tpu.memory_space<vmem>>, vector<16xi32>,
          tpu.vector_store %arg12[%swap3A_266], %add3A_265 {strides = array<i32>} : memref<128xi32, #tpu.memory_space<vmem>>, vector<16xi32>,
          %iota3A_268 = tpu.iota {dimensions = array<i32: 0>} : vector<16xi32>
          %add3A_269 = arith.constant 16448 : i32
          %add3A_270 = vector.broadcast %add3A_269 : i32 to vector<16xi32>
          %add3A_271 = arith.addi %iota3A_268, %add3A_270 : vector<16xi32>
          %swap3A_272 = arith.constant 64 : index
          %swap3A_273 = tpu.vector_load %arg12[%swap3A_272] {strides = array<i32>} : memref<128xi32, #tpu.memory_space<vmem>>, vector<16xi32>,
          tpu.vector_store %arg12[%swap3A_272], %add3A_271 {strides = array<i32>} : memref<128xi32, #tpu.memory_space<vmem>>, vector<16xi32>,
          %iota3A_274 = tpu.iota {dimensions = array<i32: 0>} : vector<16xi32>
          %add3A_275 = arith.constant 16464 : i32
          %add3A_276 = vector.broadcast %add3A_275 : i32 to vector<16xi32>
          %add3A_277 = arith.addi %iota3A_274, %add3A_276 : vector<16xi32>
          %swap3A_278 = arith.constant 80 : index
          %swap3A_279 = tpu.vector_load %arg12[%swap3A_278] {strides = array<i32>} : memref<128xi32, #tpu.memory_space<vmem>>, vector<16xi32>,
          tpu.vector_store %arg12[%swap3A_278], %add3A_277 {strides = array<i32>} : memref<128xi32, #tpu.memory_space<vmem>>, vector<16xi32>,
          %iota3A_280 = tpu.iota {dimensions = array<i32: 0>} : vector<16xi32>
          %add3A_281 = arith.constant 16480 : i32
          %add3A_282 = vector.broadcast %add3A_281 : i32 to vector<16xi32>
          %add3A_283 = arith.addi %iota3A_280, %add3A_282 : vector<16xi32>
          %swap3A_284 = arith.constant 96 : index
          %swap3A_285 = tpu.vector_load %arg12[%swap3A_284] {strides = array<i32>} : memref<128xi32, #tpu.memory_space<vmem>>, vector<16xi32>,
          tpu.vector_store %arg12[%swap3A_284], %add3A_283 {strides = array<i32>} : memref<128xi32, #tpu.memory_space<vmem>>, vector<16xi32>,
          %iota3A_286 = tpu.iota {dimensions = array<i32: 0>} : vector<16xi32>
          %add3A_287 = arith.constant 16496 : i32
          %add3A_288 = vector.broadcast %add3A_287 : i32 to vector<16xi32>
          %add3A_289 = arith.addi %iota3A_286, %add3A_288 : vector<16xi32>
          %swap3A_290 = arith.constant 112 : index
          %swap3A_291 = tpu.vector_load %arg12[%swap3A_290] {strides = array<i32>} : memref<128xi32, #tpu.memory_space<vmem>>, vector<16xi32>,
          tpu.vector_store %arg12[%swap3A_290], %add3A_289 {strides = array<i32>} : memref<128xi32, #tpu.memory_space<vmem>>, vector<16xi32>,
        } else {
        }
        %eq3A_237 = arith.constant 128 : i32
        %eq3A_238 = arith.cmpi eq, %add3A_231, %eq3A_237 : i32
        %jit3A = arith.constant 0 : i32
        %select_n3A = arith.select %eq3A_238, %jit3A, %add3A_231 : i32
        scf.yield %select_n3A : i32
      }
      %while3A_173 = arith.constant 1 : i32
      %while3A_174 = scf.for %while3A_175 = %while3A_170 to %while3A_166 step %while3A_173 iter_args(%while3A_176 = %while3A_172) -> (i32)  : i32 {
        %add3A_177 = arith.constant 128 : i32
        %add3A_178 = arith.addi %add3A_177, %while3A_175 : i32
        %get3A_179 = arith.constant 0 : i32
        %get3A_180 = arith.index_cast %get3A_179 : i32 to index
        %get3A_181 = arith.index_cast %add3A_178 : i32 to index
        %get3A_182 = tpu.vector_load %arg6[%get3A_180, %get3A_181] {strides = array<i32>} : memref<1x656xi32, #tpu.memory_space<vmem>>, vector<16xi32>,
        %slice3A_183 = vector.extract_strided_slice %get3A_182 {offsets = [0], sizes = [1], strides = [1]} : vector<16xi32> to vector<1xi32>
        %squeeze3A_184 = vector.extract %slice3A_183[0] : i32 from vector<1xi32>
        %and3A = arith.constant 127 : i32
        %and3A_185 = arith.andi %squeeze3A_184, %and3A : i32
        %get3A_186 = arith.constant 0 : i32
        %get3A_187 = arith.index_cast %get3A_186 : i32 to index
        %get3A_188 = arith.index_cast %while3A_175 : i32 to index
        %get3A_189 = tpu.vector_load %arg7[%get3A_187, %get3A_188] {strides = array<i32>} : memref<1x528xi32, #tpu.memory_space<vmem>>, vector<16xi32>,
        %slice3A_190 = vector.extract_strided_slice %get3A_189 {offsets = [0], sizes = [1], strides = [1]} : vector<16xi32> to vector<1xi32>
        %squeeze3A_191 = vector.extract %slice3A_190[0] : i32 from vector<1xi32>
        %broadcast_in_dim3A_192 = vector.broadcast %and3A_185 : i32 to vector<16xi32>
        %iota3A_193 = tpu.iota {dimensions = array<i32: 0>} : vector<16xi32>
        %add3A_194 = arith.constant 0 : i32
        %add3A_195 = vector.broadcast %add3A_194 : i32 to vector<16xi32>
        %add3A_196 = arith.addi %iota3A_193, %add3A_195 : vector<16xi32>
        %gather3A = tpu.vector_load_idx %arg10[%broadcast_in_dim3A_157, %add3A_196, %broadcast_in_dim3A_192] : memref<10x64x128xf32, #tpu.memory_space<vmem>>[vector<16xi32>, vector<16xi32>, vector<16xi32>], vector<16xf32>,
        %swap3A_197 = arith.index_cast %while3A_176 : i32 to index
        %swap3A_198 = arith.constant 0 : index
        %swap3A_199 = tpu.vector_load %arg11[%swap3A_197, %swap3A_198] {strides = array<i32>} : memref<128x128xf32, #tpu.memory_space<vmem>>, vector<16xf32>,
        tpu.vector_store %arg11[%swap3A_197, %swap3A_198], %gather3A {strides = array<i32>} : memref<128x128xf32, #tpu.memory_space<vmem>>, vector<16xf32>,
        %iota3A_200 = tpu.iota {dimensions = array<i32: 0>} : vector<16xi32>
        %add3A_201 = arith.constant 16 : i32
        %add3A_202 = vector.broadcast %add3A_201 : i32 to vector<16xi32>
        %add3A_203 = arith.addi %iota3A_200, %add3A_202 : vector<16xi32>
        %gather3A_204 = tpu.vector_load_idx %arg10[%broadcast_in_dim3A_157, %add3A_203, %broadcast_in_dim3A_192] : memref<10x64x128xf32, #tpu.memory_space<vmem>>[vector<16xi32>, vector<16xi32>, vector<16xi32>], vector<16xf32>,
        %swap3A_205 = arith.index_cast %while3A_176 : i32 to index
        %swap3A_206 = arith.constant 16 : index
        %swap3A_207 = tpu.vector_load %arg11[%swap3A_205, %swap3A_206] {strides = array<i32>} : memref<128x128xf32, #tpu.memory_space<vmem>>, vector<16xf32>,
        tpu.vector_store %arg11[%swap3A_205, %swap3A_206], %gather3A_204 {strides = array<i32>} : memref<128x128xf32, #tpu.memory_space<vmem>>, vector<16xf32>,
        %iota3A_208 = tpu.iota {dimensions = array<i32: 0>} : vector<16xi32>
        %add3A_209 = arith.constant 32 : i32
        %add3A_210 = vector.broadcast %add3A_209 : i32 to vector<16xi32>
        %add3A_211 = arith.addi %iota3A_208, %add3A_210 : vector<16xi32>
        %gather3A_212 = tpu.vector_load_idx %arg10[%broadcast_in_dim3A_157, %add3A_211, %broadcast_in_dim3A_192] : memref<10x64x128xf32, #tpu.memory_space<vmem>>[vector<16xi32>, vector<16xi32>, vector<16xi32>], vector<16xf32>,
        %swap3A_213 = arith.index_cast %while3A_176 : i32 to index
        %swap3A_214 = arith.constant 32 : index
        %swap3A_215 = tpu.vector_load %arg11[%swap3A_213, %swap3A_214] {strides = array<i32>} : memref<128x128xf32, #tpu.memory_space<vmem>>, vector<16xf32>,
        tpu.vector_store %arg11[%swap3A_213, %swap3A_214], %gather3A_212 {strides = array<i32>} : memref<128x128xf32, #tpu.memory_space<vmem>>, vector<16xf32>,
        %iota3A_216 = tpu.iota {dimensions = array<i32: 0>} : vector<16xi32>
        %add3A_217 = arith.constant 48 : i32
        %add3A_218 = vector.broadcast %add3A_217 : i32 to vector<16xi32>
        %add3A_219 = arith.addi %iota3A_216, %add3A_218 : vector<16xi32>
        %gather3A_220 = tpu.vector_load_idx %arg10[%broadcast_in_dim3A_157, %add3A_219, %broadcast_in_dim3A_192] : memref<10x64x128xf32, #tpu.memory_space<vmem>>[vector<16xi32>, vector<16xi32>, vector<16xi32>], vector<16xf32>,
        %swap3A_221 = arith.index_cast %while3A_176 : i32 to index
        %swap3A_222 = arith.constant 48 : index
        %swap3A_223 = tpu.vector_load %arg11[%swap3A_221, %swap3A_222] {strides = array<i32>} : memref<128x128xf32, #tpu.memory_space<vmem>>, vector<16xf32>,
        tpu.vector_store %arg11[%swap3A_221, %swap3A_222], %gather3A_220 {strides = array<i32>} : memref<128x128xf32, #tpu.memory_space<vmem>>, vector<16xf32>,
        %broadcast_in_dim3A_224 = vector.broadcast %while3A_176 : i32 to vector<16xi32>
        %broadcast_in_dim3A_225 = vector.broadcast %squeeze3A_191 : i32 to vector<16xi32>
        %iota3A_226 = tpu.iota {dimensions = array<i32: 0>} : vector<16xi32>
        %eq3A_227 = arith.constant 0 : i32
        %eq3A_228 = vector.broadcast %eq3A_227 : i32 to vector<16xi32>
        %eq3A_229 = arith.cmpi eq, %iota3A_226, %eq3A_228 : vector<16xi32>
        tpu.vector_store_idx %arg12[%broadcast_in_dim3A_224], %broadcast_in_dim3A_225 masked %eq3A_229 : memref<128xi32, #tpu.memory_space<vmem>>[vector<16xi32>], vector<16xi32>, vector<16xi1>
        %add3A_230 = arith.constant 1 : i32
        %add3A_231 = arith.addi %while3A_176, %add3A_230 : i32
        %eq3A_232 = arith.constant 128 : i32
        %eq3A_233 = arith.cmpi eq, %add3A_231, %eq3A_232 : i32
        %convert_element_type3A_234 = arith.extui %eq3A_233 : i1 to i32
        %cond3A_235 = arith.constant 0 : i32
        %cond3A_236 = arith.cmpi ne, %convert_element_type3A_234, %cond3A_235 : i32
        scf.if %cond3A_236 {
          %dma_start3A = arith.constant 0 : i32
          %dma_start3A_239 = arith.constant 0 : i32
          %dma_start3A_240 = tpu.memref_slice %arg5[%dma_start3A, %dma_start3A_239] : memref<16512x128xf32, #tpu.memory_space<hbm>> -> memref<16512x128xf32, #tpu.memory_space<hbm>>
          tpu.enqueue_indirect_dma source(%arg11 : memref<128x128xf32, #tpu.memory_space<vmem>>) target(%dma_start3A_240 : memref<16512x128xf32, #tpu.memory_space<hbm>>) offsets(%arg12 : memref<128xi32, #tpu.memory_space<vmem>>) semaphore(%arg14 : memref<!tpu.dma_semaphore, #tpu.memory_space<semaphore_mem>>)
          %dma_wait3A_241 = arith.constant 0 : i32
          %dma_wait3A_242 = arith.constant 0 : i32
          %dma_wait3A_243 = tpu.memref_slice %arg5[%dma_wait3A_241, %dma_wait3A_242] : memref<16512x128xf32, #tpu.memory_space<hbm>> -> memref<16512x128xf32, #tpu.memory_space<hbm>>
          tpu.wait_indirect_dma semaphore(%arg14 : memref<!tpu.dma_semaphore, #tpu.memory_space<semaphore_mem>>) src(%arg11 : memref<128x128xf32, #tpu.memory_space<vmem>>) dst(%dma_wait3A_243 : memref<16512x128xf32, #tpu.memory_space<hbm>>)
          %iota3A_244 = tpu.iota {dimensions = array<i32: 0>} : vector<16xi32>
          %add3A_245 = arith.constant 16384 : i32
          %add3A_246 = vector.broadcast %add3A_245 : i32 to vector<16xi32>
          %add3A_247 = arith.addi %iota3A_244, %add3A_246 : vector<16xi32>
          %swap3A_248 = arith.constant 0 : index
          %swap3A_249 = tpu.vector_load %arg12[%swap3A_248] {strides = array<i32>} : memref<128xi32, #tpu.memory_space<vmem>>, vector<16xi32>,
          tpu.vector_store %arg12[%swap3A_248], %add3A_247 {strides = array<i32>} : memref<128xi32, #tpu.memory_space<vmem>>, vector<16xi32>,
          %iota3A_250 = tpu.iota {dimensions = array<i32: 0>} : vector<16xi32>
          %add3A_251 = arith.constant 16400 : i32
          %add3A_252 = vector.broadcast %add3A_251 : i32 to vector<16xi32>
          %add3A_253 = arith.addi %iota3A_250, %add3A_252 : vector<16xi32>
          %swap3A_254 = arith.constant 16 : index
          %swap3A_255 = tpu.vector_load %arg12[%swap3A_254] {strides = array<i32>} : memref<128xi32, #tpu.memory_space<vmem>>, vector<16xi32>,
          tpu.vector_store %arg12[%swap3A_254], %add3A_253 {strides = array<i32>} : memref<128xi32, #tpu.memory_space<vmem>>, vector<16xi32>,
          %iota3A_256 = tpu.iota {dimensions = array<i32: 0>} : vector<16xi32>
          %add3A_257 = arith.constant 16416 : i32
          %add3A_258 = vector.broadcast %add3A_257 : i32 to vector<16xi32>
          %add3A_259 = arith.addi %iota3A_256, %add3A_258 : vector<16xi32>
          %swap3A_260 = arith.constant 32 : index
          %swap3A_261 = tpu.vector_load %arg12[%swap3A_260] {strides = array<i32>} : memref<128xi32, #tpu.memory_space<vmem>>, vector<16xi32>,
          tpu.vector_store %arg12[%swap3A_260], %add3A_259 {strides = array<i32>} : memref<128xi32, #tpu.memory_space<vmem>>, vector<16xi32>,
          %iota3A_262 = tpu.iota {dimensions = array<i32: 0>} : vector<16xi32>
          %add3A_263 = arith.constant 16432 : i32
          %add3A_264 = vector.broadcast %add3A_263 : i32 to vector<16xi32>
          %add3A_265 = arith.addi %iota3A_262, %add3A_264 : vector<16xi32>
          %swap3A_266 = arith.constant 48 : index
          %swap3A_267 = tpu.vector_load %arg12[%swap3A_266] {strides = array<i32>} : memref<128xi32, #tpu.memory_space<vmem>>, vector<16xi32>,
          tpu.vector_store %arg12[%swap3A_266], %add3A_265 {strides = array<i32>} : memref<128xi32, #tpu.memory_space<vmem>>, vector<16xi32>,
          %iota3A_268 = tpu.iota {dimensions = array<i32: 0>} : vector<16xi32>
          %add3A_269 = arith.constant 16448 : i32
          %add3A_270 = vector.broadcast %add3A_269 : i32 to vector<16xi32>
          %add3A_271 = arith.addi %iota3A_268, %add3A_270 : vector<16xi32>
          %swap3A_272 = arith.constant 64 : index
          %swap3A_273 = tpu.vector_load %arg12[%swap3A_272] {strides = array<i32>} : memref<128xi32, #tpu.memory_space<vmem>>, vector<16xi32>,
          tpu.vector_store %arg12[%swap3A_272], %add3A_271 {strides = array<i32>} : memref<128xi32, #tpu.memory_space<vmem>>, vector<16xi32>,
          %iota3A_274 = tpu.iota {dimensions = array<i32: 0>} : vector<16xi32>
          %add3A_275 = arith.constant 16464 : i32
          %add3A_276 = vector.broadcast %add3A_275 : i32 to vector<16xi32>
          %add3A_277 = arith.addi %iota3A_274, %add3A_276 : vector<16xi32>
          %swap3A_278 = arith.constant 80 : index
          %swap3A_279 = tpu.vector_load %arg12[%swap3A_278] {strides = array<i32>} : memref<128xi32, #tpu.memory_space<vmem>>, vector<16xi32>,
          tpu.vector_store %arg12[%swap3A_278], %add3A_277 {strides = array<i32>} : memref<128xi32, #tpu.memory_space<vmem>>, vector<16xi32>,
          %iota3A_280 = tpu.iota {dimensions = array<i32: 0>} : vector<16xi32>
          %add3A_281 = arith.constant 16480 : i32
          %add3A_282 = vector.broadcast %add3A_281 : i32 to vector<16xi32>
          %add3A_283 = arith.addi %iota3A_280, %add3A_282 : vector<16xi32>
          %swap3A_284 = arith.constant 96 : index
          %swap3A_285 = tpu.vector_load %arg12[%swap3A_284] {strides = array<i32>} : memref<128xi32, #tpu.memory_space<vmem>>, vector<16xi32>,
          tpu.vector_store %arg12[%swap3A_284], %add3A_283 {strides = array<i32>} : memref<128xi32, #tpu.memory_space<vmem>>, vector<16xi32>,
          %iota3A_286 = tpu.iota {dimensions = array<i32: 0>} : vector<16xi32>
          %add3A_287 = arith.constant 16496 : i32
          %add3A_288 = vector.broadcast %add3A_287 : i32 to vector<16xi32>
          %add3A_289 = arith.addi %iota3A_286, %add3A_288 : vector<16xi32>
          %swap3A_290 = arith.constant 112 : index
          %swap3A_291 = tpu.vector_load %arg12[%swap3A_290] {strides = array<i32>} : memref<128xi32, #tpu.memory_space<vmem>>, vector<16xi32>,
          tpu.vector_store %arg12[%swap3A_290], %add3A_289 {strides = array<i32>} : memref<128xi32, #tpu.memory_space<vmem>>, vector<16xi32>,
        } else {
        }
        %eq3A_237 = arith.constant 128 : i32
        %eq3A_238 = arith.cmpi eq, %add3A_231, %eq3A_237 : i32
        %jit3A = arith.constant 0 : i32
        %select_n3A = arith.select %eq3A_238, %jit3A, %add3A_231 : i32
        scf.yield %select_n3A : i32
      }
      scf.yield %while3A_174 : i32
    }
    %while3A_127 = arith.constant 1 : i32
    %while3A_128 = scf.for %while3A_134 = %while3A_124 to %while3A_120 step %while3A_127 iter_args(%while3A_135 = %while3A_126) -> (i32)  : i32 {
      %rem3A = arith.constant 10 : i32
      %rem3A_136 = arith.remsi %while3A_134, %rem3A : i32
      %dma_wait3A = arith.constant 0 : i32
      %dma_wait3A_137 = arith.constant 0 : i32
      %dma_wait3A_138 = tpu.memref_slice %arg10[%rem3A_136, %dma_wait3A, %dma_wait3A_137] : memref<10x64x128xf32, #tpu.memory_space<vmem>> -> memref<1x64x128xf32, #tpu.memory_space<vmem>>
      %dma_wait3A_139 = tpu.memref_squeeze %dma_wait3A_138 : memref<1x64x128xf32, #tpu.memory_space<vmem>> -> memref<64x128xf32, #tpu.memory_space<vmem>>
      %dma_wait3A_140 = arith.constant 0 : i32
      %dma_wait3A_141 = arith.constant 0 : i32
      %dma_wait3A_142 = tpu.memref_slice %arg4[%dma_wait3A_140, %dma_wait3A_141] : memref<64x1000000xf32, #tpu.memory_space<hbm>> -> memref<64x128xf32, #tpu.memory_space<hbm>>
      %dma_wait3A_143 = tpu.memref_slice %arg13[%rem3A_136] : memref<10x!tpu.dma_semaphore, #tpu.memory_space<semaphore_mem>> -> memref<1x!tpu.dma_semaphore, #tpu.memory_space<semaphore_mem>>
      %dma_wait3A_144 = tpu.memref_squeeze %dma_wait3A_143 : memref<1x!tpu.dma_semaphore, #tpu.memory_space<semaphore_mem>> -> memref<!tpu.dma_semaphore, #tpu.memory_space<semaphore_mem>>
      %dma_wait3A_145 = arith.constant 0 : i32
      %dma_wait3A_146 = arith.constant 0 : i32
      %dma_wait3A_147 = tpu.memref_slice %arg10[%rem3A_136, %dma_wait3A_145, %dma_wait3A_146] : memref<10x64x128xf32, #tpu.memory_space<vmem>> -> memref<1x64x128xf32, #tpu.memory_space<vmem>>
      %dma_wait3A_148 = tpu.memref_squeeze %dma_wait3A_147 : memref<1x64x128xf32, #tpu.memory_space<vmem>> -> memref<64x128xf32, #tpu.memory_space<vmem>>
      %dma_wait3A_149 = arith.constant 0 : i32
      %dma_wait3A_150 = arith.constant 0 : i32
      %dma_wait3A_151 = tpu.memref_slice %arg4[%dma_wait3A_149, %dma_wait3A_150] : memref<64x1000000xf32, #tpu.memory_space<hbm>> -> memref<64x128xf32, #tpu.memory_space<hbm>>
      tpu.wait_dma2 semaphore(%dma_wait3A_144 : memref<!tpu.dma_semaphore, #tpu.memory_space<semaphore_mem>>) src(%dma_wait3A_151 : memref<64x128xf32, #tpu.memory_space<hbm>>) dst(%dma_wait3A_148 : memref<64x128xf32, #tpu.memory_space<vmem>>)
      %add3A_152 = arith.constant 10 : i32
      %add3A_153 = arith.addi %while3A_134, %add3A_152 : i32
      %lt3A = arith.cmpi slt, %add3A_153, %scan3A_15 : i32
      %convert_element_type3A_154 = arith.extui %lt3A : i1 to i32
      %cond3A_155 = arith.constant 0 : i32
      %cond3A_156 = arith.cmpi ne, %convert_element_type3A_154, %cond3A_155 : i32
      scf.if %cond3A_156 {
        %add3A_175 = arith.constant 10 : i32
        %add3A_176 = arith.addi %while3A_134, %add3A_175 : i32
        %get3A_177 = arith.index_cast %add3A_176 : i32 to index
        %get3A_178 = tpu.vector_load %arg8[%get3A_177] {strides = array<i32>} : memref<528xi32, #tpu.memory_space<vmem>>, vector<16xi32>,
        %slice3A_179 = vector.extract_strided_slice %get3A_178 {offsets = [0], sizes = [1], strides = [1]} : vector<16xi32> to vector<1xi32>
        %squeeze3A_180 = vector.extract %slice3A_179[0] : i32 from vector<1xi32>
        %multiple_of3A = tpu.assume_multiple %squeeze3A_180, 128 : i32
        %dma_start3A = arith.constant 0 : i32
        %dma_start3A_181 = arith.constant 0 : i32
        %dma_start3A_182 = tpu.memref_slice %arg10[%rem3A_136, %dma_start3A, %dma_start3A_181] : memref<10x64x128xf32, #tpu.memory_space<vmem>> -> memref<1x64x128xf32, #tpu.memory_space<vmem>>
        %dma_start3A_183 = tpu.memref_squeeze %dma_start3A_182 : memref<1x64x128xf32, #tpu.memory_space<vmem>> -> memref<64x128xf32, #tpu.memory_space<vmem>>
        %dma_start3A_184 = arith.constant 0 : i32
        %dma_start3A_185 = tpu.memref_slice %arg4[%dma_start3A_184, %multiple_of3A] : memref<64x1000000xf32, #tpu.memory_space<hbm>> -> memref<64x128xf32, #tpu.memory_space<hbm>>
        %dma_start3A_186 = tpu.memref_slice %arg13[%rem3A_136] : memref<10x!tpu.dma_semaphore, #tpu.memory_space<semaphore_mem>> -> memref<1x!tpu.dma_semaphore, #tpu.memory_space<semaphore_mem>>
        %dma_start3A_187 = tpu.memref_squeeze %dma_start3A_186 : memref<1x!tpu.dma_semaphore, #tpu.memory_space<semaphore_mem>> -> memref<!tpu.dma_semaphore, #tpu.memory_space<semaphore_mem>>
        %dma_start3A_188 = arith.constant 0 : i32
        %dma_start3A_189 = arith.constant 0 : i32
        %dma_start3A_190 = tpu.memref_slice %arg10[%rem3A_136, %dma_start3A_188, %dma_start3A_189] : memref<10x64x128xf32, #tpu.memory_space<vmem>> -> memref<1x64x128xf32, #tpu.memory_space<vmem>>
        %dma_start3A_191 = tpu.memref_squeeze %dma_start3A_190 : memref<1x64x128xf32, #tpu.memory_space<vmem>> -> memref<64x128xf32, #tpu.memory_space<vmem>>
        %dma_start3A_192 = arith.constant 0 : i32
        %dma_start3A_193 = tpu.memref_slice %arg4[%dma_start3A_192, %multiple_of3A] : memref<64x1000000xf32, #tpu.memory_space<hbm>> -> memref<64x128xf32, #tpu.memory_space<hbm>>
        tpu.enqueue_dma source(%dma_start3A_193 : memref<64x128xf32, #tpu.memory_space<hbm>>) target(%dma_start3A_191 : memref<64x128xf32, #tpu.memory_space<vmem>>) target_semaphore(%dma_start3A_187 : memref<!tpu.dma_semaphore, #tpu.memory_space<semaphore_mem>>)
      } else {
      }
      %broadcast_in_dim3A_157 = vector.broadcast %rem3A_136 : i32 to vector<16xi32>
      %get3A = arith.index_cast %while3A_134 : i32 to index
      %get3A_158 = tpu.vector_load %arg9[%get3A] {strides = array<i32>} : memref<544xi32, #tpu.memory_space<vmem>>, vector<16xi32>,
      %slice3A = vector.extract_strided_slice %get3A_158 {offsets = [0], sizes = [1], strides = [1]} : vector<16xi32> to vector<1xi32>
      %squeeze3A = vector.extract %slice3A[0] : i32 from vector<1xi32>
      %add3A_159 = arith.constant 1 : i32
      %add3A_160 = arith.addi %while3A_134, %add3A_159 : i32
      %get3A_161 = arith.index_cast %add3A_160 : i32 to index
      %get3A_162 = tpu.vector_load %arg9[%get3A_161] {strides = array<i32>} : memref<544xi32, #tpu.memory_space<vmem>>, vector<16xi32>,
      %slice3A_163 = vector.extract_strided_slice %get3A_162 {offsets = [0], sizes = [1], strides = [1]} : vector<16xi32> to vector<1xi32>
      %squeeze3A_164 = vector.extract %slice3A_163[0] : i32 from vector<1xi32>
      %while3A_165 = arith.subi %squeeze3A_164, %squeeze3A : i32
      %while3A_166 = arith.addi %squeeze3A, %while3A_165 : i32
      %while3A_167 = arith.constant 1 : i32
      %while3A_168 = arith.divsi %while3A_165, %while3A_167 : i32
      %while3A_169 = arith.muli %while3A_168, %while3A_167 : i32
      %while3A_170 = arith.addi %squeeze3A, %while3A_169 : i32
      %while3A_171 = arith.constant 1 : i32
      %while3A_172 = scf.for %while3A_175 = %squeeze3A to %while3A_170 step %while3A_171 iter_args(%while3A_176 = %while3A_135) -> (i32)  : i32 {
        %add3A_177 = arith.constant 128 : i32
        %add3A_178 = arith.addi %add3A_177, %while3A_175 : i32
        %get3A_179 = arith.constant 0 : i32
        %get3A_180 = arith.index_cast %get3A_179 : i32 to index
        %get3A_181 = arith.index_cast %add3A_178 : i32 to index
        %get3A_182 = tpu.vector_load %arg6[%get3A_180, %get3A_181] {strides = array<i32>} : memref<1x656xi32, #tpu.memory_space<vmem>>, vector<16xi32>,
        %slice3A_183 = vector.extract_strided_slice %get3A_182 {offsets = [0], sizes = [1], strides = [1]} : vector<16xi32> to vector<1xi32>
        %squeeze3A_184 = vector.extract %slice3A_183[0] : i32 from vector<1xi32>
        %and3A = arith.constant 127 : i32
        %and3A_185 = arith.andi %squeeze3A_184, %and3A : i32
        %get3A_186 = arith.constant 0 : i32
        %get3A_187 = arith.index_cast %get3A_186 : i32 to index
        %get3A_188 = arith.index_cast %while3A_175 : i32 to index
        %get3A_189 = tpu.vector_load %arg7[%get3A_187, %get3A_188] {strides = array<i32>} : memref<1x528xi32, #tpu.memory_space<vmem>>, vector<16xi32>,
        %slice3A_190 = vector.extract_strided_slice %get3A_189 {offsets = [0], sizes = [1], strides = [1]} : vector<16xi32> to vector<1xi32>
        %squeeze3A_191 = vector.extract %slice3A_190[0] : i32 from vector<1xi32>
        %broadcast_in_dim3A_192 = vector.broadcast %and3A_185 : i32 to vector<16xi32>
        %iota3A_193 = tpu.iota {dimensions = array<i32: 0>} : vector<16xi32>
        %add3A_194 = arith.constant 0 : i32
        %add3A_195 = vector.broadcast %add3A_194 : i32 to vector<16xi32>
        %add3A_196 = arith.addi %iota3A_193, %add3A_195 : vector<16xi32>
        %gather3A = tpu.vector_load_idx %arg10[%broadcast_in_dim3A_157, %add3A_196, %broadcast_in_dim3A_192] : memref<10x64x128xf32, #tpu.memory_space<vmem>>[vector<16xi32>, vector<16xi32>, vector<16xi32>], vector<16xf32>,
        %swap3A_197 = arith.index_cast %while3A_176 : i32 to index
        %swap3A_198 = arith.constant 0 : index
        %swap3A_199 = tpu.vector_load %arg11[%swap3A_197, %swap3A_198] {strides = array<i32>} : memref<128x128xf32, #tpu.memory_space<vmem>>, vector<16xf32>,
        tpu.vector_store %arg11[%swap3A_197, %swap3A_198], %gather3A {strides = array<i32>} : memref<128x128xf32, #tpu.memory_space<vmem>>, vector<16xf32>,
        %iota3A_200 = tpu.iota {dimensions = array<i32: 0>} : vector<16xi32>
        %add3A_201 = arith.constant 16 : i32
        %add3A_202 = vector.broadcast %add3A_201 : i32 to vector<16xi32>
        %add3A_203 = arith.addi %iota3A_200, %add3A_202 : vector<16xi32>
        %gather3A_204 = tpu.vector_load_idx %arg10[%broadcast_in_dim3A_157, %add3A_203, %broadcast_in_dim3A_192] : memref<10x64x128xf32, #tpu.memory_space<vmem>>[vector<16xi32>, vector<16xi32>, vector<16xi32>], vector<16xf32>,
        %swap3A_205 = arith.index_cast %while3A_176 : i32 to index
        %swap3A_206 = arith.constant 16 : index
        %swap3A_207 = tpu.vector_load %arg11[%swap3A_205, %swap3A_206] {strides = array<i32>} : memref<128x128xf32, #tpu.memory_space<vmem>>, vector<16xf32>,
        tpu.vector_store %arg11[%swap3A_205, %swap3A_206], %gather3A_204 {strides = array<i32>} : memref<128x128xf32, #tpu.memory_space<vmem>>, vector<16xf32>,
        %iota3A_208 = tpu.iota {dimensions = array<i32: 0>} : vector<16xi32>
        %add3A_209 = arith.constant 32 : i32
        %add3A_210 = vector.broadcast %add3A_209 : i32 to vector<16xi32>
        %add3A_211 = arith.addi %iota3A_208, %add3A_210 : vector<16xi32>
        %gather3A_212 = tpu.vector_load_idx %arg10[%broadcast_in_dim3A_157, %add3A_211, %broadcast_in_dim3A_192] : memref<10x64x128xf32, #tpu.memory_space<vmem>>[vector<16xi32>, vector<16xi32>, vector<16xi32>], vector<16xf32>,
        %swap3A_213 = arith.index_cast %while3A_176 : i32 to index
        %swap3A_214 = arith.constant 32 : index
        %swap3A_215 = tpu.vector_load %arg11[%swap3A_213, %swap3A_214] {strides = array<i32>} : memref<128x128xf32, #tpu.memory_space<vmem>>, vector<16xf32>,
        tpu.vector_store %arg11[%swap3A_213, %swap3A_214], %gather3A_212 {strides = array<i32>} : memref<128x128xf32, #tpu.memory_space<vmem>>, vector<16xf32>,
        %iota3A_216 = tpu.iota {dimensions = array<i32: 0>} : vector<16xi32>
        %add3A_217 = arith.constant 48 : i32
        %add3A_218 = vector.broadcast %add3A_217 : i32 to vector<16xi32>
        %add3A_219 = arith.addi %iota3A_216, %add3A_218 : vector<16xi32>
        %gather3A_220 = tpu.vector_load_idx %arg10[%broadcast_in_dim3A_157, %add3A_219, %broadcast_in_dim3A_192] : memref<10x64x128xf32, #tpu.memory_space<vmem>>[vector<16xi32>, vector<16xi32>, vector<16xi32>], vector<16xf32>,
        %swap3A_221 = arith.index_cast %while3A_176 : i32 to index
        %swap3A_222 = arith.constant 48 : index
        %swap3A_223 = tpu.vector_load %arg11[%swap3A_221, %swap3A_222] {strides = array<i32>} : memref<128x128xf32, #tpu.memory_space<vmem>>, vector<16xf32>,
        tpu.vector_store %arg11[%swap3A_221, %swap3A_222], %gather3A_220 {strides = array<i32>} : memref<128x128xf32, #tpu.memory_space<vmem>>, vector<16xf32>,
        %broadcast_in_dim3A_224 = vector.broadcast %while3A_176 : i32 to vector<16xi32>
        %broadcast_in_dim3A_225 = vector.broadcast %squeeze3A_191 : i32 to vector<16xi32>
        %iota3A_226 = tpu.iota {dimensions = array<i32: 0>} : vector<16xi32>
        %eq3A_227 = arith.constant 0 : i32
        %eq3A_228 = vector.broadcast %eq3A_227 : i32 to vector<16xi32>
        %eq3A_229 = arith.cmpi eq, %iota3A_226, %eq3A_228 : vector<16xi32>
        tpu.vector_store_idx %arg12[%broadcast_in_dim3A_224], %broadcast_in_dim3A_225 masked %eq3A_229 : memref<128xi32, #tpu.memory_space<vmem>>[vector<16xi32>], vector<16xi32>, vector<16xi1>
        %add3A_230 = arith.constant 1 : i32
        %add3A_231 = arith.addi %while3A_176, %add3A_230 : i32
        %eq3A_232 = arith.constant 128 : i32
        %eq3A_233 = arith.cmpi eq, %add3A_231, %eq3A_232 : i32
        %convert_element_type3A_234 = arith.extui %eq3A_233 : i1 to i32
        %cond3A_235 = arith.constant 0 : i32
        %cond3A_236 = arith.cmpi ne, %convert_element_type3A_234, %cond3A_235 : i32
        scf.if %cond3A_236 {
          %dma_start3A = arith.constant 0 : i32
          %dma_start3A_239 = arith.constant 0 : i32
          %dma_start3A_240 = tpu.memref_slice %arg5[%dma_start3A, %dma_start3A_239] : memref<16512x128xf32, #tpu.memory_space<hbm>> -> memref<16512x128xf32, #tpu.memory_space<hbm>>
          tpu.enqueue_indirect_dma source(%arg11 : memref<128x128xf32, #tpu.memory_space<vmem>>) target(%dma_start3A_240 : memref<16512x128xf32, #tpu.memory_space<hbm>>) offsets(%arg12 : memref<128xi32, #tpu.memory_space<vmem>>) semaphore(%arg14 : memref<!tpu.dma_semaphore, #tpu.memory_space<semaphore_mem>>)
          %dma_wait3A_241 = arith.constant 0 : i32
          %dma_wait3A_242 = arith.constant 0 : i32
          %dma_wait3A_243 = tpu.memref_slice %arg5[%dma_wait3A_241, %dma_wait3A_242] : memref<16512x128xf32, #tpu.memory_space<hbm>> -> memref<16512x128xf32, #tpu.memory_space<hbm>>
          tpu.wait_indirect_dma semaphore(%arg14 : memref<!tpu.dma_semaphore, #tpu.memory_space<semaphore_mem>>) src(%arg11 : memref<128x128xf32, #tpu.memory_space<vmem>>) dst(%dma_wait3A_243 : memref<16512x128xf32, #tpu.memory_space<hbm>>)
          %iota3A_244 = tpu.iota {dimensions = array<i32: 0>} : vector<16xi32>
          %add3A_245 = arith.constant 16384 : i32
          %add3A_246 = vector.broadcast %add3A_245 : i32 to vector<16xi32>
          %add3A_247 = arith.addi %iota3A_244, %add3A_246 : vector<16xi32>
          %swap3A_248 = arith.constant 0 : index
          %swap3A_249 = tpu.vector_load %arg12[%swap3A_248] {strides = array<i32>} : memref<128xi32, #tpu.memory_space<vmem>>, vector<16xi32>,
          tpu.vector_store %arg12[%swap3A_248], %add3A_247 {strides = array<i32>} : memref<128xi32, #tpu.memory_space<vmem>>, vector<16xi32>,
          %iota3A_250 = tpu.iota {dimensions = array<i32: 0>} : vector<16xi32>
          %add3A_251 = arith.constant 16400 : i32
          %add3A_252 = vector.broadcast %add3A_251 : i32 to vector<16xi32>
          %add3A_253 = arith.addi %iota3A_250, %add3A_252 : vector<16xi32>
          %swap3A_254 = arith.constant 16 : index
          %swap3A_255 = tpu.vector_load %arg12[%swap3A_254] {strides = array<i32>} : memref<128xi32, #tpu.memory_space<vmem>>, vector<16xi32>,
          tpu.vector_store %arg12[%swap3A_254], %add3A_253 {strides = array<i32>} : memref<128xi32, #tpu.memory_space<vmem>>, vector<16xi32>,
          %iota3A_256 = tpu.iota {dimensions = array<i32: 0>} : vector<16xi32>
          %add3A_257 = arith.constant 16416 : i32
          %add3A_258 = vector.broadcast %add3A_257 : i32 to vector<16xi32>
          %add3A_259 = arith.addi %iota3A_256, %add3A_258 : vector<16xi32>
          %swap3A_260 = arith.constant 32 : index
          %swap3A_261 = tpu.vector_load %arg12[%swap3A_260] {strides = array<i32>} : memref<128xi32, #tpu.memory_space<vmem>>, vector<16xi32>,
          tpu.vector_store %arg12[%swap3A_260], %add3A_259 {strides = array<i32>} : memref<128xi32, #tpu.memory_space<vmem>>, vector<16xi32>,
          %iota3A_262 = tpu.iota {dimensions = array<i32: 0>} : vector<16xi32>
          %add3A_263 = arith.constant 16432 : i32
          %add3A_264 = vector.broadcast %add3A_263 : i32 to vector<16xi32>
          %add3A_265 = arith.addi %iota3A_262, %add3A_264 : vector<16xi32>
          %swap3A_266 = arith.constant 48 : index
          %swap3A_267 = tpu.vector_load %arg12[%swap3A_266] {strides = array<i32>} : memref<128xi32, #tpu.memory_space<vmem>>, vector<16xi32>,
          tpu.vector_store %arg12[%swap3A_266], %add3A_265 {strides = array<i32>} : memref<128xi32, #tpu.memory_space<vmem>>, vector<16xi32>,
          %iota3A_268 = tpu.iota {dimensions = array<i32: 0>} : vector<16xi32>
          %add3A_269 = arith.constant 16448 : i32
          %add3A_270 = vector.broadcast %add3A_269 : i32 to vector<16xi32>
          %add3A_271 = arith.addi %iota3A_268, %add3A_270 : vector<16xi32>
          %swap3A_272 = arith.constant 64 : index
          %swap3A_273 = tpu.vector_load %arg12[%swap3A_272] {strides = array<i32>} : memref<128xi32, #tpu.memory_space<vmem>>, vector<16xi32>,
          tpu.vector_store %arg12[%swap3A_272], %add3A_271 {strides = array<i32>} : memref<128xi32, #tpu.memory_space<vmem>>, vector<16xi32>,
          %iota3A_274 = tpu.iota {dimensions = array<i32: 0>} : vector<16xi32>
          %add3A_275 = arith.constant 16464 : i32
          %add3A_276 = vector.broadcast %add3A_275 : i32 to vector<16xi32>
          %add3A_277 = arith.addi %iota3A_274, %add3A_276 : vector<16xi32>
          %swap3A_278 = arith.constant 80 : index
          %swap3A_279 = tpu.vector_load %arg12[%swap3A_278] {strides = array<i32>} : memref<128xi32, #tpu.memory_space<vmem>>, vector<16xi32>,
          tpu.vector_store %arg12[%swap3A_278], %add3A_277 {strides = array<i32>} : memref<128xi32, #tpu.memory_space<vmem>>, vector<16xi32>,
          %iota3A_280 = tpu.iota {dimensions = array<i32: 0>} : vector<16xi32>
          %add3A_281 = arith.constant 16480 : i32
          %add3A_282 = vector.broadcast %add3A_281 : i32 to vector<16xi32>
          %add3A_283 = arith.addi %iota3A_280, %add3A_282 : vector<16xi32>
          %swap3A_284 = arith.constant 96 : index
          %swap3A_285 = tpu.vector_load %arg12[%swap3A_284] {strides = array<i32>} : memref<128xi32, #tpu.memory_space<vmem>>, vector<16xi32>,
          tpu.vector_store %arg12[%swap3A_284], %add3A_283 {strides = array<i32>} : memref<128xi32, #tpu.memory_space<vmem>>, vector<16xi32>,
          %iota3A_286 = tpu.iota {dimensions = array<i32: 0>} : vector<16xi32>
          %add3A_287 = arith.constant 16496 : i32
          %add3A_288 = vector.broadcast %add3A_287 : i32 to vector<16xi32>
          %add3A_289 = arith.addi %iota3A_286, %add3A_288 : vector<16xi32>
          %swap3A_290 = arith.constant 112 : index
          %swap3A_291 = tpu.vector_load %arg12[%swap3A_290] {strides = array<i32>} : memref<128xi32, #tpu.memory_space<vmem>>, vector<16xi32>,
          tpu.vector_store %arg12[%swap3A_290], %add3A_289 {strides = array<i32>} : memref<128xi32, #tpu.memory_space<vmem>>, vector<16xi32>,
        } else {
        }
        %eq3A_237 = arith.constant 128 : i32
        %eq3A_238 = arith.cmpi eq, %add3A_231, %eq3A_237 : i32
        %jit3A = arith.constant 0 : i32
        %select_n3A = arith.select %eq3A_238, %jit3A, %add3A_231 : i32
        scf.yield %select_n3A : i32
      }
      %while3A_173 = arith.constant 1 : i32
      %while3A_174 = scf.for %while3A_175 = %while3A_170 to %while3A_166 step %while3A_173 iter_args(%while3A_176 = %while3A_172) -> (i32)  : i32 {
        %add3A_177 = arith.constant 128 : i32
        %add3A_178 = arith.addi %add3A_177, %while3A_175 : i32
        %get3A_179 = arith.constant 0 : i32
        %get3A_180 = arith.index_cast %get3A_179 : i32 to index
        %get3A_181 = arith.index_cast %add3A_178 : i32 to index
        %get3A_182 = tpu.vector_load %arg6[%get3A_180, %get3A_181] {strides = array<i32>} : memref<1x656xi32, #tpu.memory_space<vmem>>, vector<16xi32>,
        %slice3A_183 = vector.extract_strided_slice %get3A_182 {offsets = [0], sizes = [1], strides = [1]} : vector<16xi32> to vector<1xi32>
        %squeeze3A_184 = vector.extract %slice3A_183[0] : i32 from vector<1xi32>
        %and3A = arith.constant 127 : i32
        %and3A_185 = arith.andi %squeeze3A_184, %and3A : i32
        %get3A_186 = arith.constant 0 : i32
        %get3A_187 = arith.index_cast %get3A_186 : i32 to index
        %get3A_188 = arith.index_cast %while3A_175 : i32 to index
        %get3A_189 = tpu.vector_load %arg7[%get3A_187, %get3A_188] {strides = array<i32>} : memref<1x528xi32, #tpu.memory_space<vmem>>, vector<16xi32>,
        %slice3A_190 = vector.extract_strided_slice %get3A_189 {offsets = [0], sizes = [1], strides = [1]} : vector<16xi32> to vector<1xi32>
        %squeeze3A_191 = vector.extract %slice3A_190[0] : i32 from vector<1xi32>
        %broadcast_in_dim3A_192 = vector.broadcast %and3A_185 : i32 to vector<16xi32>
        %iota3A_193 = tpu.iota {dimensions = array<i32: 0>} : vector<16xi32>
        %add3A_194 = arith.constant 0 : i32
        %add3A_195 = vector.broadcast %add3A_194 : i32 to vector<16xi32>
        %add3A_196 = arith.addi %iota3A_193, %add3A_195 : vector<16xi32>
        %gather3A = tpu.vector_load_idx %arg10[%broadcast_in_dim3A_157, %add3A_196, %broadcast_in_dim3A_192] : memref<10x64x128xf32, #tpu.memory_space<vmem>>[vector<16xi32>, vector<16xi32>, vector<16xi32>], vector<16xf32>,
        %swap3A_197 = arith.index_cast %while3A_176 : i32 to index
        %swap3A_198 = arith.constant 0 : index
        %swap3A_199 = tpu.vector_load %arg11[%swap3A_197, %swap3A_198] {strides = array<i32>} : memref<128x128xf32, #tpu.memory_space<vmem>>, vector<16xf32>,
        tpu.vector_store %arg11[%swap3A_197, %swap3A_198], %gather3A {strides = array<i32>} : memref<128x128xf32, #tpu.memory_space<vmem>>, vector<16xf32>,
        %iota3A_200 = tpu.iota {dimensions = array<i32: 0>} : vector<16xi32>
        %add3A_201 = arith.constant 16 : i32
        %add3A_202 = vector.broadcast %add3A_201 : i32 to vector<16xi32>
        %add3A_203 = arith.addi %iota3A_200, %add3A_202 : vector<16xi32>
        %gather3A_204 = tpu.vector_load_idx %arg10[%broadcast_in_dim3A_157, %add3A_203, %broadcast_in_dim3A_192] : memref<10x64x128xf32, #tpu.memory_space<vmem>>[vector<16xi32>, vector<16xi32>, vector<16xi32>], vector<16xf32>,
        %swap3A_205 = arith.index_cast %while3A_176 : i32 to index
        %swap3A_206 = arith.constant 16 : index
        %swap3A_207 = tpu.vector_load %arg11[%swap3A_205, %swap3A_206] {strides = array<i32>} : memref<128x128xf32, #tpu.memory_space<vmem>>, vector<16xf32>,
        tpu.vector_store %arg11[%swap3A_205, %swap3A_206], %gather3A_204 {strides = array<i32>} : memref<128x128xf32, #tpu.memory_space<vmem>>, vector<16xf32>,
        %iota3A_208 = tpu.iota {dimensions = array<i32: 0>} : vector<16xi32>
        %add3A_209 = arith.constant 32 : i32
        %add3A_210 = vector.broadcast %add3A_209 : i32 to vector<16xi32>
        %add3A_211 = arith.addi %iota3A_208, %add3A_210 : vector<16xi32>
        %gather3A_212 = tpu.vector_load_idx %arg10[%broadcast_in_dim3A_157, %add3A_211, %broadcast_in_dim3A_192] : memref<10x64x128xf32, #tpu.memory_space<vmem>>[vector<16xi32>, vector<16xi32>, vector<16xi32>], vector<16xf32>,
        %swap3A_213 = arith.index_cast %while3A_176 : i32 to index
        %swap3A_214 = arith.constant 32 : index
        %swap3A_215 = tpu.vector_load %arg11[%swap3A_213, %swap3A_214] {strides = array<i32>} : memref<128x128xf32, #tpu.memory_space<vmem>>, vector<16xf32>,
        tpu.vector_store %arg11[%swap3A_213, %swap3A_214], %gather3A_212 {strides = array<i32>} : memref<128x128xf32, #tpu.memory_space<vmem>>, vector<16xf32>,
        %iota3A_216 = tpu.iota {dimensions = array<i32: 0>} : vector<16xi32>
        %add3A_217 = arith.constant 48 : i32
        %add3A_218 = vector.broadcast %add3A_217 : i32 to vector<16xi32>
        %add3A_219 = arith.addi %iota3A_216, %add3A_218 : vector<16xi32>
        %gather3A_220 = tpu.vector_load_idx %arg10[%broadcast_in_dim3A_157, %add3A_219, %broadcast_in_dim3A_192] : memref<10x64x128xf32, #tpu.memory_space<vmem>>[vector<16xi32>, vector<16xi32>, vector<16xi32>], vector<16xf32>,
        %swap3A_221 = arith.index_cast %while3A_176 : i32 to index
        %swap3A_222 = arith.constant 48 : index
        %swap3A_223 = tpu.vector_load %arg11[%swap3A_221, %swap3A_222] {strides = array<i32>} : memref<128x128xf32, #tpu.memory_space<vmem>>, vector<16xf32>,
        tpu.vector_store %arg11[%swap3A_221, %swap3A_222], %gather3A_220 {strides = array<i32>} : memref<128x128xf32, #tpu.memory_space<vmem>>, vector<16xf32>,
        %broadcast_in_dim3A_224 = vector.broadcast %while3A_176 : i32 to vector<16xi32>
        %broadcast_in_dim3A_225 = vector.broadcast %squeeze3A_191 : i32 to vector<16xi32>
        %iota3A_226 = tpu.iota {dimensions = array<i32: 0>} : vector<16xi32>
        %eq3A_227 = arith.constant 0 : i32
        %eq3A_228 = vector.broadcast %eq3A_227 : i32 to vector<16xi32>
        %eq3A_229 = arith.cmpi eq, %iota3A_226, %eq3A_228 : vector<16xi32>
        tpu.vector_store_idx %arg12[%broadcast_in_dim3A_224], %broadcast_in_dim3A_225 masked %eq3A_229 : memref<128xi32, #tpu.memory_space<vmem>>[vector<16xi32>], vector<16xi32>, vector<16xi1>
        %add3A_230 = arith.constant 1 : i32
        %add3A_231 = arith.addi %while3A_176, %add3A_230 : i32
        %eq3A_232 = arith.constant 128 : i32
        %eq3A_233 = arith.cmpi eq, %add3A_231, %eq3A_232 : i32
        %convert_element_type3A_234 = arith.extui %eq3A_233 : i1 to i32
        %cond3A_235 = arith.constant 0 : i32
        %cond3A_236 = arith.cmpi ne, %convert_element_type3A_234, %cond3A_235 : i32
        scf.if %cond3A_236 {
          %dma_start3A = arith.constant 0 : i32
          %dma_start3A_239 = arith.constant 0 : i32
          %dma_start3A_240 = tpu.memref_slice %arg5[%dma_start3A, %dma_start3A_239] : memref<16512x128xf32, #tpu.memory_space<hbm>> -> memref<16512x128xf32, #tpu.memory_space<hbm>>
          tpu.enqueue_indirect_dma source(%arg11 : memref<128x128xf32, #tpu.memory_space<vmem>>) target(%dma_start3A_240 : memref<16512x128xf32, #tpu.memory_space<hbm>>) offsets(%arg12 : memref<128xi32, #tpu.memory_space<vmem>>) semaphore(%arg14 : memref<!tpu.dma_semaphore, #tpu.memory_space<semaphore_mem>>)
          %dma_wait3A_241 = arith.constant 0 : i32
          %dma_wait3A_242 = arith.constant 0 : i32
          %dma_wait3A_243 = tpu.memref_slice %arg5[%dma_wait3A_241, %dma_wait3A_242] : memref<16512x128xf32, #tpu.memory_space<hbm>> -> memref<16512x128xf32, #tpu.memory_space<hbm>>
          tpu.wait_indirect_dma semaphore(%arg14 : memref<!tpu.dma_semaphore, #tpu.memory_space<semaphore_mem>>) src(%arg11 : memref<128x128xf32, #tpu.memory_space<vmem>>) dst(%dma_wait3A_243 : memref<16512x128xf32, #tpu.memory_space<hbm>>)
          %iota3A_244 = tpu.iota {dimensions = array<i32: 0>} : vector<16xi32>
          %add3A_245 = arith.constant 16384 : i32
          %add3A_246 = vector.broadcast %add3A_245 : i32 to vector<16xi32>
          %add3A_247 = arith.addi %iota3A_244, %add3A_246 : vector<16xi32>
          %swap3A_248 = arith.constant 0 : index
          %swap3A_249 = tpu.vector_load %arg12[%swap3A_248] {strides = array<i32>} : memref<128xi32, #tpu.memory_space<vmem>>, vector<16xi32>,
          tpu.vector_store %arg12[%swap3A_248], %add3A_247 {strides = array<i32>} : memref<128xi32, #tpu.memory_space<vmem>>, vector<16xi32>,
          %iota3A_250 = tpu.iota {dimensions = array<i32: 0>} : vector<16xi32>
          %add3A_251 = arith.constant 16400 : i32
          %add3A_252 = vector.broadcast %add3A_251 : i32 to vector<16xi32>
          %add3A_253 = arith.addi %iota3A_250, %add3A_252 : vector<16xi32>
          %swap3A_254 = arith.constant 16 : index
          %swap3A_255 = tpu.vector_load %arg12[%swap3A_254] {strides = array<i32>} : memref<128xi32, #tpu.memory_space<vmem>>, vector<16xi32>,
          tpu.vector_store %arg12[%swap3A_254], %add3A_253 {strides = array<i32>} : memref<128xi32, #tpu.memory_space<vmem>>, vector<16xi32>,
          %iota3A_256 = tpu.iota {dimensions = array<i32: 0>} : vector<16xi32>
          %add3A_257 = arith.constant 16416 : i32
          %add3A_258 = vector.broadcast %add3A_257 : i32 to vector<16xi32>
          %add3A_259 = arith.addi %iota3A_256, %add3A_258 : vector<16xi32>
          %swap3A_260 = arith.constant 32 : index
          %swap3A_261 = tpu.vector_load %arg12[%swap3A_260] {strides = array<i32>} : memref<128xi32, #tpu.memory_space<vmem>>, vector<16xi32>,
          tpu.vector_store %arg12[%swap3A_260], %add3A_259 {strides = array<i32>} : memref<128xi32, #tpu.memory_space<vmem>>, vector<16xi32>,
          %iota3A_262 = tpu.iota {dimensions = array<i32: 0>} : vector<16xi32>
          %add3A_263 = arith.constant 16432 : i32
          %add3A_264 = vector.broadcast %add3A_263 : i32 to vector<16xi32>
          %add3A_265 = arith.addi %iota3A_262, %add3A_264 : vector<16xi32>
          %swap3A_266 = arith.constant 48 : index
          %swap3A_267 = tpu.vector_load %arg12[%swap3A_266] {strides = array<i32>} : memref<128xi32, #tpu.memory_space<vmem>>, vector<16xi32>,
          tpu.vector_store %arg12[%swap3A_266], %add3A_265 {strides = array<i32>} : memref<128xi32, #tpu.memory_space<vmem>>, vector<16xi32>,
          %iota3A_268 = tpu.iota {dimensions = array<i32: 0>} : vector<16xi32>
          %add3A_269 = arith.constant 16448 : i32
          %add3A_270 = vector.broadcast %add3A_269 : i32 to vector<16xi32>
          %add3A_271 = arith.addi %iota3A_268, %add3A_270 : vector<16xi32>
          %swap3A_272 = arith.constant 64 : index
          %swap3A_273 = tpu.vector_load %arg12[%swap3A_272] {strides = array<i32>} : memref<128xi32, #tpu.memory_space<vmem>>, vector<16xi32>,
          tpu.vector_store %arg12[%swap3A_272], %add3A_271 {strides = array<i32>} : memref<128xi32, #tpu.memory_space<vmem>>, vector<16xi32>,
          %iota3A_274 = tpu.iota {dimensions = array<i32: 0>} : vector<16xi32>
          %add3A_275 = arith.constant 16464 : i32
          %add3A_276 = vector.broadcast %add3A_275 : i32 to vector<16xi32>
          %add3A_277 = arith.addi %iota3A_274, %add3A_276 : vector<16xi32>
          %swap3A_278 = arith.constant 80 : index
          %swap3A_279 = tpu.vector_load %arg12[%swap3A_278] {strides = array<i32>} : memref<128xi32, #tpu.memory_space<vmem>>, vector<16xi32>,
          tpu.vector_store %arg12[%swap3A_278], %add3A_277 {strides = array<i32>} : memref<128xi32, #tpu.memory_space<vmem>>, vector<16xi32>,
          %iota3A_280 = tpu.iota {dimensions = array<i32: 0>} : vector<16xi32>
          %add3A_281 = arith.constant 16480 : i32
          %add3A_282 = vector.broadcast %add3A_281 : i32 to vector<16xi32>
          %add3A_283 = arith.addi %iota3A_280, %add3A_282 : vector<16xi32>
          %swap3A_284 = arith.constant 96 : index
          %swap3A_285 = tpu.vector_load %arg12[%swap3A_284] {strides = array<i32>} : memref<128xi32, #tpu.memory_space<vmem>>, vector<16xi32>,
          tpu.vector_store %arg12[%swap3A_284], %add3A_283 {strides = array<i32>} : memref<128xi32, #tpu.memory_space<vmem>>, vector<16xi32>,
          %iota3A_286 = tpu.iota {dimensions = array<i32: 0>} : vector<16xi32>
          %add3A_287 = arith.constant 16496 : i32
          %add3A_288 = vector.broadcast %add3A_287 : i32 to vector<16xi32>
          %add3A_289 = arith.addi %iota3A_286, %add3A_288 : vector<16xi32>
          %swap3A_290 = arith.constant 112 : index
          %swap3A_291 = tpu.vector_load %arg12[%swap3A_290] {strides = array<i32>} : memref<128xi32, #tpu.memory_space<vmem>>, vector<16xi32>,
          tpu.vector_store %arg12[%swap3A_290], %add3A_289 {strides = array<i32>} : memref<128xi32, #tpu.memory_space<vmem>>, vector<16xi32>,
        } else {
        }
        %eq3A_237 = arith.constant 128 : i32
        %eq3A_238 = arith.cmpi eq, %add3A_231, %eq3A_237 : i32
        %jit3A = arith.constant 0 : i32
        %select_n3A = arith.select %eq3A_238, %jit3A, %add3A_231 : i32
        scf.yield %select_n3A : i32
      }
      scf.yield %while3A_174 : i32
    }
    %gt3A_129 = arith.constant 0 : i32
    %gt3A_130 = arith.cmpi sgt, %while3A_128, %gt3A_129 : i32
    %convert_element_type3A_131 = arith.extui %gt3A_130 : i1 to i32
    %cond3A_132 = arith.constant 0 : i32
    %cond3A_133 = arith.cmpi ne, %convert_element_type3A_131, %cond3A_132 : i32
    scf.if %cond3A_133 {
      %dma_start3A = arith.constant 0 : i32
      %dma_start3A_134 = arith.constant 0 : i32
      %dma_start3A_135 = tpu.memref_slice %arg5[%dma_start3A, %dma_start3A_134] : memref<16512x128xf32, #tpu.memory_space<hbm>> -> memref<16512x128xf32, #tpu.memory_space<hbm>>
      tpu.enqueue_indirect_dma source(%arg11 : memref<128x128xf32, #tpu.memory_space<vmem>>) target(%dma_start3A_135 : memref<16512x128xf32, #tpu.memory_space<hbm>>) offsets(%arg12 : memref<128xi32, #tpu.memory_space<vmem>>) semaphore(%arg14 : memref<!tpu.dma_semaphore, #tpu.memory_space<semaphore_mem>>)
      %dma_wait3A = arith.constant 0 : i32
      %dma_wait3A_136 = arith.constant 0 : i32
      %dma_wait3A_137 = tpu.memref_slice %arg5[%dma_wait3A, %dma_wait3A_136] : memref<16512x128xf32, #tpu.memory_space<hbm>> -> memref<16512x128xf32, #tpu.memory_space<hbm>>
      tpu.wait_indirect_dma semaphore(%arg14 : memref<!tpu.dma_semaphore, #tpu.memory_space<semaphore_mem>>) src(%arg11 : memref<128x128xf32, #tpu.memory_space<vmem>>) dst(%dma_wait3A_137 : memref<16512x128xf32, #tpu.memory_space<hbm>>)
      %iota3A_138 = tpu.iota {dimensions = array<i32: 0>} : vector<16xi32>
      %add3A_139 = arith.constant 16384 : i32
      %add3A_140 = vector.broadcast %add3A_139 : i32 to vector<16xi32>
      %add3A_141 = arith.addi %iota3A_138, %add3A_140 : vector<16xi32>
      %swap3A_142 = arith.constant 0 : index
      %swap3A_143 = tpu.vector_load %arg12[%swap3A_142] {strides = array<i32>} : memref<128xi32, #tpu.memory_space<vmem>>, vector<16xi32>,
      tpu.vector_store %arg12[%swap3A_142], %add3A_141 {strides = array<i32>} : memref<128xi32, #tpu.memory_space<vmem>>, vector<16xi32>,
      %iota3A_144 = tpu.iota {dimensions = array<i32: 0>} : vector<16xi32>
      %add3A_145 = arith.constant 16400 : i32
      %add3A_146 = vector.broadcast %add3A_145 : i32 to vector<16xi32>
      %add3A_147 = arith.addi %iota3A_144, %add3A_146 : vector<16xi32>
      %swap3A_148 = arith.constant 16 : index
      %swap3A_149 = tpu.vector_load %arg12[%swap3A_148] {strides = array<i32>} : memref<128xi32, #tpu.memory_space<vmem>>, vector<16xi32>,
      tpu.vector_store %arg12[%swap3A_148], %add3A_147 {strides = array<i32>} : memref<128xi32, #tpu.memory_space<vmem>>, vector<16xi32>,
      %iota3A_150 = tpu.iota {dimensions = array<i32: 0>} : vector<16xi32>
      %add3A_151 = arith.constant 16416 : i32
      %add3A_152 = vector.broadcast %add3A_151 : i32 to vector<16xi32>
      %add3A_153 = arith.addi %iota3A_150, %add3A_152 : vector<16xi32>
      %swap3A_154 = arith.constant 32 : index
      %swap3A_155 = tpu.vector_load %arg12[%swap3A_154] {strides = array<i32>} : memref<128xi32, #tpu.memory_space<vmem>>, vector<16xi32>,
      tpu.vector_store %arg12[%swap3A_154], %add3A_153 {strides = array<i32>} : memref<128xi32, #tpu.memory_space<vmem>>, vector<16xi32>,
      %iota3A_156 = tpu.iota {dimensions = array<i32: 0>} : vector<16xi32>
      %add3A_157 = arith.constant 16432 : i32
      %add3A_158 = vector.broadcast %add3A_157 : i32 to vector<16xi32>
      %add3A_159 = arith.addi %iota3A_156, %add3A_158 : vector<16xi32>
      %swap3A_160 = arith.constant 48 : index
      %swap3A_161 = tpu.vector_load %arg12[%swap3A_160] {strides = array<i32>} : memref<128xi32, #tpu.memory_space<vmem>>, vector<16xi32>,
      tpu.vector_store %arg12[%swap3A_160], %add3A_159 {strides = array<i32>} : memref<128xi32, #tpu.memory_space<vmem>>, vector<16xi32>,
      %iota3A_162 = tpu.iota {dimensions = array<i32: 0>} : vector<16xi32>
      %add3A_163 = arith.constant 16448 : i32
      %add3A_164 = vector.broadcast %add3A_163 : i32 to vector<16xi32>
      %add3A_165 = arith.addi %iota3A_162, %add3A_164 : vector<16xi32>
      %swap3A_166 = arith.constant 64 : index
      %swap3A_167 = tpu.vector_load %arg12[%swap3A_166] {strides = array<i32>} : memref<128xi32, #tpu.memory_space<vmem>>, vector<16xi32>,
      tpu.vector_store %arg12[%swap3A_166], %add3A_165 {strides = array<i32>} : memref<128xi32, #tpu.memory_space<vmem>>, vector<16xi32>,
      %iota3A_168 = tpu.iota {dimensions = array<i32: 0>} : vector<16xi32>
      %add3A_169 = arith.constant 16464 : i32
      %add3A_170 = vector.broadcast %add3A_169 : i32 to vector<16xi32>
      %add3A_171 = arith.addi %iota3A_168, %add3A_170 : vector<16xi32>
      %swap3A_172 = arith.constant 80 : index
      %swap3A_173 = tpu.vector_load %arg12[%swap3A_172] {strides = array<i32>} : memref<128xi32, #tpu.memory_space<vmem>>, vector<16xi32>,
      tpu.vector_store %arg12[%swap3A_172], %add3A_171 {strides = array<i32>} : memref<128xi32, #tpu.memory_space<vmem>>, vector<16xi32>,
      %iota3A_174 = tpu.iota {dimensions = array<i32: 0>} : vector<16xi32>
      %add3A_175 = arith.constant 16480 : i32
      %add3A_176 = vector.broadcast %add3A_175 : i32 to vector<16xi32>
      %add3A_177 = arith.addi %iota3A_174, %add3A_176 : vector<16xi32>
      %swap3A_178 = arith.constant 96 : index
      %swap3A_179 = tpu.vector_load %arg12[%swap3A_178] {strides = array<i32>} : memref<128xi32, #tpu.memory_space<vmem>>, vector<16xi32>,
      tpu.vector_store %arg12[%swap3A_178], %add3A_177 {strides = array<i32>} : memref<128xi32, #tpu.memory_space<vmem>>, vector<16xi32>,
      %iota3A_180 = tpu.iota {dimensions = array<i32: 0>} : vector<16xi32>
      %add3A_181 = arith.constant 16496 : i32
      %add3A_182 = vector.broadcast %add3A_181 : i32 to vector<16xi32>
      %add3A_183 = arith.addi %iota3A_180, %add3A_182 : vector<16xi32>
      %swap3A_184 = arith.constant 112 : index
      %swap3A_185 = tpu.vector_load %arg12[%swap3A_184] {strides = array<i32>} : memref<128xi32, #tpu.memory_space<vmem>>, vector<16xi32>,
      tpu.vector_store %arg12[%swap3A_184], %add3A_183 {strides = array<i32>} : memref<128xi32, #tpu.memory_space<vmem>>, vector<16xi32>,
    } else {
    }
    return
  }
}

#map = affine_map<(d0, d1) -> (0, 0)>
module attributes {stable_mosaic.version = 14 : i64} {
  func.func @_b_body(%arg0: i32, %arg1: i32, %arg2: memref<64x16384xf32, #tpu.memory_space<hbm>>, %arg3: memref<16512x128xf32, #tpu.memory_space<hbm>>, %arg4: memref<64x16384xf32, #tpu.memory_space<hbm>>, %arg5: memref<64x512xf32, #tpu.memory_space<vmem>>, %arg6: memref<256x128xf32, #tpu.memory_space<vmem>>) attributes {dimension_semantics = [#tpu.dimension_semantics<core_parallel>, #tpu.dimension_semantics<subcore_parallel>], iteration_bounds = array<i64: 2, 16>, scalar_prefetch = 0 : i64, scratch_operands = 2 : i64, tpu.core_type = #tpu.core_type<sc_vector_subcore>, window_params = [{transform_indices = #map}, {transform_indices = #map}, {transform_indices = #map}]} {
    %mul3A = arith.constant 2 : i32
    %mul3A_0 = arith.muli %arg1, %mul3A : i32
    %add3A = arith.addi %mul3A_0, %arg0 : i32
    %mul3A_1 = arith.constant 512 : i32
    %mul3A_2 = arith.muli %add3A, %mul3A_1 : i32
    %multiple_of3A = tpu.assume_multiple %mul3A_2, 512 : i32
    "tpu.region"() ({
      %run_scoped3A = tpu.sem_alloc : memref<!tpu.dma_semaphore, #tpu.memory_space<semaphore_mem>>
      %dma_start3A = arith.constant 0 : i32
      %dma_start3A_18 = tpu.memref_slice %arg2[%dma_start3A, %multiple_of3A] : memref<64x16384xf32, #tpu.memory_space<hbm>> -> memref<64x512xf32, #tpu.memory_space<hbm>>
      %dma_start3A_19 = arith.constant 0 : i32
      %dma_start3A_20 = tpu.memref_slice %arg2[%dma_start3A_19, %multiple_of3A] : memref<64x16384xf32, #tpu.memory_space<hbm>> -> memref<64x512xf32, #tpu.memory_space<hbm>>
      tpu.enqueue_dma source(%dma_start3A_20 : memref<64x512xf32, #tpu.memory_space<hbm>>) target(%arg5 : memref<64x512xf32, #tpu.memory_space<vmem>>) target_semaphore(%run_scoped3A : memref<!tpu.dma_semaphore, #tpu.memory_space<semaphore_mem>>)
      %dma_wait3A = arith.constant 0 : i32
      %dma_wait3A_21 = tpu.memref_slice %arg2[%dma_wait3A, %multiple_of3A] : memref<64x16384xf32, #tpu.memory_space<hbm>> -> memref<64x512xf32, #tpu.memory_space<hbm>>
      %dma_wait3A_22 = arith.constant 0 : i32
      %dma_wait3A_23 = tpu.memref_slice %arg2[%dma_wait3A_22, %multiple_of3A] : memref<64x16384xf32, #tpu.memory_space<hbm>> -> memref<64x512xf32, #tpu.memory_space<hbm>>
      tpu.wait_dma2 semaphore(%run_scoped3A : memref<!tpu.dma_semaphore, #tpu.memory_space<semaphore_mem>>) src(%dma_wait3A_23 : memref<64x512xf32, #tpu.memory_space<hbm>>) dst(%arg5 : memref<64x512xf32, #tpu.memory_space<vmem>>)
      tpu.yield
    }) : () -> ()
    %add3A_3 = arith.constant 0 : i32
    %add3A_4 = arith.addi %multiple_of3A, %add3A_3 : i32
    "tpu.region"() ({
      %run_scoped3A = tpu.sem_alloc : memref<!tpu.dma_semaphore, #tpu.memory_space<semaphore_mem>>
      %dma_start3A = arith.constant 0 : i32
      %dma_start3A_18 = tpu.memref_slice %arg3[%add3A_4, %dma_start3A] : memref<16512x128xf32, #tpu.memory_space<hbm>> -> memref<256x128xf32, #tpu.memory_space<hbm>>
      %dma_start3A_19 = arith.constant 0 : i32
      %dma_start3A_20 = tpu.memref_slice %arg3[%add3A_4, %dma_start3A_19] : memref<16512x128xf32, #tpu.memory_space<hbm>> -> memref<256x128xf32, #tpu.memory_space<hbm>>
      tpu.enqueue_dma source(%dma_start3A_20 : memref<256x128xf32, #tpu.memory_space<hbm>>) target(%arg6 : memref<256x128xf32, #tpu.memory_space<vmem>>) target_semaphore(%run_scoped3A : memref<!tpu.dma_semaphore, #tpu.memory_space<semaphore_mem>>)
      %dma_wait3A = arith.constant 0 : i32
      %dma_wait3A_21 = tpu.memref_slice %arg3[%add3A_4, %dma_wait3A] : memref<16512x128xf32, #tpu.memory_space<hbm>> -> memref<256x128xf32, #tpu.memory_space<hbm>>
      %dma_wait3A_22 = arith.constant 0 : i32
      %dma_wait3A_23 = tpu.memref_slice %arg3[%add3A_4, %dma_wait3A_22] : memref<16512x128xf32, #tpu.memory_space<hbm>> -> memref<256x128xf32, #tpu.memory_space<hbm>>
      tpu.wait_dma2 semaphore(%run_scoped3A : memref<!tpu.dma_semaphore, #tpu.memory_space<semaphore_mem>>) src(%dma_wait3A_23 : memref<256x128xf32, #tpu.memory_space<hbm>>) dst(%arg6 : memref<256x128xf32, #tpu.memory_space<vmem>>)
      tpu.yield
    }) : () -> ()
    %scan3A = arith.constant 0 : i32
    %scan3A_5 = arith.constant 0 : i32
    %scan3A_6 = arith.constant 256 : i32
    %scan3A_7 = arith.addi %scan3A_5, %scan3A_6 : i32
    %scan3A_8 = arith.constant 1 : i32
    scf.for %scan3A_18 = %scan3A_5 to %scan3A_7 step %scan3A_8  : i32 {
      %broadcast_in_dim3A = vector.broadcast %scan3A_18 : i32 to vector<16xi32>
      %add3A_19 = arith.constant 0 : i32
      %add3A_20 = arith.addi %add3A_19, %scan3A_18 : i32
      %broadcast_in_dim3A_21 = vector.broadcast %add3A_20 : i32 to vector<16xi32>
      %iota3A = tpu.iota {dimensions = array<i32: 0>} : vector<16xi32>
      %add3A_22 = arith.constant 0 : i32
      %add3A_23 = vector.broadcast %add3A_22 : i32 to vector<16xi32>
      %add3A_24 = arith.addi %iota3A, %add3A_23 : vector<16xi32>
      %gather3A = tpu.vector_load_idx %arg6[%broadcast_in_dim3A, %add3A_24] : memref<256x128xf32, #tpu.memory_space<vmem>>[vector<16xi32>, vector<16xi32>], vector<16xf32>,
      tpu.vector_store_idx %arg5[%add3A_24, %broadcast_in_dim3A_21], %gather3A {add = true} : memref<64x512xf32, #tpu.memory_space<vmem>>[vector<16xi32>, vector<16xi32>], vector<16xf32>,
      %iota3A_25 = tpu.iota {dimensions = array<i32: 0>} : vector<16xi32>
      %add3A_26 = arith.constant 16 : i32
      %add3A_27 = vector.broadcast %add3A_26 : i32 to vector<16xi32>
      %add3A_28 = arith.addi %iota3A_25, %add3A_27 : vector<16xi32>
      %gather3A_29 = tpu.vector_load_idx %arg6[%broadcast_in_dim3A, %add3A_28] : memref<256x128xf32, #tpu.memory_space<vmem>>[vector<16xi32>, vector<16xi32>], vector<16xf32>,
      tpu.vector_store_idx %arg5[%add3A_28, %broadcast_in_dim3A_21], %gather3A_29 {add = true} : memref<64x512xf32, #tpu.memory_space<vmem>>[vector<16xi32>, vector<16xi32>], vector<16xf32>,
      %iota3A_30 = tpu.iota {dimensions = array<i32: 0>} : vector<16xi32>
      %add3A_31 = arith.constant 32 : i32
      %add3A_32 = vector.broadcast %add3A_31 : i32 to vector<16xi32>
      %add3A_33 = arith.addi %iota3A_30, %add3A_32 : vector<16xi32>
      %gather3A_34 = tpu.vector_load_idx %arg6[%broadcast_in_dim3A, %add3A_33] : memref<256x128xf32, #tpu.memory_space<vmem>>[vector<16xi32>, vector<16xi32>], vector<16xf32>,
      tpu.vector_store_idx %arg5[%add3A_33, %broadcast_in_dim3A_21], %gather3A_34 {add = true} : memref<64x512xf32, #tpu.memory_space<vmem>>[vector<16xi32>, vector<16xi32>], vector<16xf32>,
      %iota3A_35 = tpu.iota {dimensions = array<i32: 0>} : vector<16xi32>
      %add3A_36 = arith.constant 48 : i32
      %add3A_37 = vector.broadcast %add3A_36 : i32 to vector<16xi32>
      %add3A_38 = arith.addi %iota3A_35, %add3A_37 : vector<16xi32>
      %gather3A_39 = tpu.vector_load_idx %arg6[%broadcast_in_dim3A, %add3A_38] : memref<256x128xf32, #tpu.memory_space<vmem>>[vector<16xi32>, vector<16xi32>], vector<16xf32>,
      tpu.vector_store_idx %arg5[%add3A_38, %broadcast_in_dim3A_21], %gather3A_39 {add = true} : memref<64x512xf32, #tpu.memory_space<vmem>>[vector<16xi32>, vector<16xi32>], vector<16xf32>,
    }
    %scan3A_9 = arith.constant 256 : i32
    %add3A_10 = arith.constant 256 : i32
    %add3A_11 = arith.addi %multiple_of3A, %add3A_10 : i32
    "tpu.region"() ({
      %run_scoped3A = tpu.sem_alloc : memref<!tpu.dma_semaphore, #tpu.memory_space<semaphore_mem>>
      %dma_start3A = arith.constant 0 : i32
      %dma_start3A_18 = tpu.memref_slice %arg3[%add3A_11, %dma_start3A] : memref<16512x128xf32, #tpu.memory_space<hbm>> -> memref<256x128xf32, #tpu.memory_space<hbm>>
      %dma_start3A_19 = arith.constant 0 : i32
      %dma_start3A_20 = tpu.memref_slice %arg3[%add3A_11, %dma_start3A_19] : memref<16512x128xf32, #tpu.memory_space<hbm>> -> memref<256x128xf32, #tpu.memory_space<hbm>>
      tpu.enqueue_dma source(%dma_start3A_20 : memref<256x128xf32, #tpu.memory_space<hbm>>) target(%arg6 : memref<256x128xf32, #tpu.memory_space<vmem>>) target_semaphore(%run_scoped3A : memref<!tpu.dma_semaphore, #tpu.memory_space<semaphore_mem>>)
      %dma_wait3A = arith.constant 0 : i32
      %dma_wait3A_21 = tpu.memref_slice %arg3[%add3A_11, %dma_wait3A] : memref<16512x128xf32, #tpu.memory_space<hbm>> -> memref<256x128xf32, #tpu.memory_space<hbm>>
      %dma_wait3A_22 = arith.constant 0 : i32
      %dma_wait3A_23 = tpu.memref_slice %arg3[%add3A_11, %dma_wait3A_22] : memref<16512x128xf32, #tpu.memory_space<hbm>> -> memref<256x128xf32, #tpu.memory_space<hbm>>
      tpu.wait_dma2 semaphore(%run_scoped3A : memref<!tpu.dma_semaphore, #tpu.memory_space<semaphore_mem>>) src(%dma_wait3A_23 : memref<256x128xf32, #tpu.memory_space<hbm>>) dst(%arg6 : memref<256x128xf32, #tpu.memory_space<vmem>>)
      tpu.yield
    }) : () -> ()
    %scan3A_12 = arith.constant 0 : i32
    %scan3A_13 = arith.constant 0 : i32
    %scan3A_14 = arith.constant 256 : i32
    %scan3A_15 = arith.addi %scan3A_13, %scan3A_14 : i32
    %scan3A_16 = arith.constant 1 : i32
    scf.for %scan3A_18 = %scan3A_13 to %scan3A_15 step %scan3A_16  : i32 {
      %broadcast_in_dim3A = vector.broadcast %scan3A_18 : i32 to vector<16xi32>
      %add3A_19 = arith.constant 256 : i32
      %add3A_20 = arith.addi %add3A_19, %scan3A_18 : i32
      %broadcast_in_dim3A_21 = vector.broadcast %add3A_20 : i32 to vector<16xi32>
      %iota3A = tpu.iota {dimensions = array<i32: 0>} : vector<16xi32>
      %add3A_22 = arith.constant 0 : i32
      %add3A_23 = vector.broadcast %add3A_22 : i32 to vector<16xi32>
      %add3A_24 = arith.addi %iota3A, %add3A_23 : vector<16xi32>
      %gather3A = tpu.vector_load_idx %arg6[%broadcast_in_dim3A, %add3A_24] : memref<256x128xf32, #tpu.memory_space<vmem>>[vector<16xi32>, vector<16xi32>], vector<16xf32>,
      tpu.vector_store_idx %arg5[%add3A_24, %broadcast_in_dim3A_21], %gather3A {add = true} : memref<64x512xf32, #tpu.memory_space<vmem>>[vector<16xi32>, vector<16xi32>], vector<16xf32>,
      %iota3A_25 = tpu.iota {dimensions = array<i32: 0>} : vector<16xi32>
      %add3A_26 = arith.constant 16 : i32
      %add3A_27 = vector.broadcast %add3A_26 : i32 to vector<16xi32>
      %add3A_28 = arith.addi %iota3A_25, %add3A_27 : vector<16xi32>
      %gather3A_29 = tpu.vector_load_idx %arg6[%broadcast_in_dim3A, %add3A_28] : memref<256x128xf32, #tpu.memory_space<vmem>>[vector<16xi32>, vector<16xi32>], vector<16xf32>,
      tpu.vector_store_idx %arg5[%add3A_28, %broadcast_in_dim3A_21], %gather3A_29 {add = true} : memref<64x512xf32, #tpu.memory_space<vmem>>[vector<16xi32>, vector<16xi32>], vector<16xf32>,
      %iota3A_30 = tpu.iota {dimensions = array<i32: 0>} : vector<16xi32>
      %add3A_31 = arith.constant 32 : i32
      %add3A_32 = vector.broadcast %add3A_31 : i32 to vector<16xi32>
      %add3A_33 = arith.addi %iota3A_30, %add3A_32 : vector<16xi32>
      %gather3A_34 = tpu.vector_load_idx %arg6[%broadcast_in_dim3A, %add3A_33] : memref<256x128xf32, #tpu.memory_space<vmem>>[vector<16xi32>, vector<16xi32>], vector<16xf32>,
      tpu.vector_store_idx %arg5[%add3A_33, %broadcast_in_dim3A_21], %gather3A_34 {add = true} : memref<64x512xf32, #tpu.memory_space<vmem>>[vector<16xi32>, vector<16xi32>], vector<16xf32>,
      %iota3A_35 = tpu.iota {dimensions = array<i32: 0>} : vector<16xi32>
      %add3A_36 = arith.constant 48 : i32
      %add3A_37 = vector.broadcast %add3A_36 : i32 to vector<16xi32>
      %add3A_38 = arith.addi %iota3A_35, %add3A_37 : vector<16xi32>
      %gather3A_39 = tpu.vector_load_idx %arg6[%broadcast_in_dim3A, %add3A_38] : memref<256x128xf32, #tpu.memory_space<vmem>>[vector<16xi32>, vector<16xi32>], vector<16xf32>,
      tpu.vector_store_idx %arg5[%add3A_38, %broadcast_in_dim3A_21], %gather3A_39 {add = true} : memref<64x512xf32, #tpu.memory_space<vmem>>[vector<16xi32>, vector<16xi32>], vector<16xf32>,
    }
    %scan3A_17 = arith.constant 256 : i32
    "tpu.region"() ({
      %run_scoped3A = tpu.sem_alloc : memref<!tpu.dma_semaphore, #tpu.memory_space<semaphore_mem>>
      %dma_start3A = arith.constant 0 : i32
      %dma_start3A_18 = tpu.memref_slice %arg4[%dma_start3A, %multiple_of3A] : memref<64x16384xf32, #tpu.memory_space<hbm>> -> memref<64x512xf32, #tpu.memory_space<hbm>>
      %dma_start3A_19 = arith.constant 0 : i32
      %dma_start3A_20 = tpu.memref_slice %arg4[%dma_start3A_19, %multiple_of3A] : memref<64x16384xf32, #tpu.memory_space<hbm>> -> memref<64x512xf32, #tpu.memory_space<hbm>>
      tpu.enqueue_dma source(%arg5 : memref<64x512xf32, #tpu.memory_space<vmem>>) target(%dma_start3A_20 : memref<64x512xf32, #tpu.memory_space<hbm>>) target_semaphore(%run_scoped3A : memref<!tpu.dma_semaphore, #tpu.memory_space<semaphore_mem>>)
      %dma_wait3A = arith.constant 0 : i32
      %dma_wait3A_21 = tpu.memref_slice %arg4[%dma_wait3A, %multiple_of3A] : memref<64x16384xf32, #tpu.memory_space<hbm>> -> memref<64x512xf32, #tpu.memory_space<hbm>>
      %dma_wait3A_22 = arith.constant 0 : i32
      %dma_wait3A_23 = tpu.memref_slice %arg4[%dma_wait3A_22, %multiple_of3A] : memref<64x16384xf32, #tpu.memory_space<hbm>> -> memref<64x512xf32, #tpu.memory_space<hbm>>
      tpu.wait_dma2 semaphore(%run_scoped3A : memref<!tpu.dma_semaphore, #tpu.memory_space<semaphore_mem>>) src(%arg5 : memref<64x512xf32, #tpu.memory_space<vmem>>) dst(%dma_wait3A_23 : memref<64x512xf32, #tpu.memory_space<hbm>>)
      tpu.yield
    }) : () -> ()
    return
  }
}

</mosaic_0001>

<sc_bundles>
// kernel: kernel.4.cloned.1.call-start
scs
__scs_entry_jumppad:
0x0: {  	(pc) =	sbr.rel $0x88, $3  }
0x1: {  	(tag) =	ssettag $0x0;
	lr =	simm.s32 $0x1  }
0x2: {  	[smem:$0x3F9E] =	sst lr;
	_ =	strace $0xD0000000  }
0x3: {  	_ = 	snop  }
0x4: {  	_ = 	snop  }
0x5: {  	_ = 	snop  }
0x6: {  	_ = 	snop  }
0x7: {  	_ = 	snop  }
__scs_overlays_trampoline_lowered:
0x8: {  	[smem:$0x3FAD] =	sst s0  }
0x9: {  	[smem:$0x3FAE] =	sst s1  }
0xa: {  	[smem:$0x3FAF] =	sst s2  }
0xb: {  	[smem:$0x3FB0] =	sst s3  }
0xc: {  	[smem:$0x3FB1] =	sst s4  }
0xd: {  	[smem:$0x3FB2] =	sst s5  }
0xe: {  	[smem:$0x3FB3] =	sst s6  }
0xf: {  	[smem:$0x3FB4] =	sst s7  }
0x10: {  	[smem:$0x3FB5] =	sst s8  }
0x11: {  	[smem:$0x3FB6] =	sst s9;
	s0 =	simm.s32 @!p0 $0x0  }
0x12: {  	s1 =	sld [smem:$0x3F9C];
	s0 =	simm.s32 @p0 $0x1  }
0x13: {  	[smem:$0x3FB7] =	sst s0;
	s0 =	simm.s32 @!p1 $0x0  }
0x14: {  	s2 =	sld [smem:$0x3F9B];
	s0 =	simm.s32 @p1 $0x1  }
0x15: {  	[smem:$0x3FB8] =	sst s0;
	s0 =	simm.s32 @!p2 $0x0  }
0x16: {  	s3 =	sld [smem:$0x3FDB];
	s0 =	simm.s32 @p2 $0x1  }
0x17: {  	s4 =	simm.s32 $0x1BF5;
	[smem:$0x3FBA] =	sst s0  }
0x18: {  	s0 =	sld [smem:$0x3F9D];
	_ =	swait.ge [sflag:s4], $0x0  }
0x19: {  	s7 =	sld [smem:$0x3F9E]  }
0x1a: {  	s8 =	sadd.s32 $0xFFFFE003, lr  }
0x1b: {  	s9 =	sadd.s32 $0xFFFFFEF7, lr;
	s5 =	simm.s32 $0xFFFFFFFF;
	p2 =	slt.u32 s8, $0xFFFFF086  }
0x1c: {  	p1 =	slt.u32 s9, $0xF7A;
	s5 =	simm.s32 @!p2 $0x0  }
0x1d: {  	s5 =	simm.s32 @p1 $0x1;
	p0 =	seq.s32 s7, s2  }
0x1e: {  	s7 =	smul.u32 @!p0 $0xF7A, s2;
	p2 =	seq.s32 @!p0 s5, $0x0  }
0x1f: {  	s9 =	smul.u32 $0xF7A, s1;
	s8 =	simm.s32 @!p0 $0x1BF5;
	p2 =	por !p2, p0  }
0x20: {  	[sflag:s8] =	ssyncset.s32 @!p0 $0xFFFFF086;
	s6 =	sadd.s32 @!p0 s3, s7;
	s7 =	simm.s32 @!p0 $0x108  }
0x21: {  	s3 =	sadd.s32 s3, s9;
	s6 =	sadd.s32 @!p0 $0x88, s6;
	s7 =	simm.s32 @p2 $0x1082  }
0x22: {  	[simem:s7], [sflag:s8] =	dma.local @!p0 [hbm:s6], $0xF7A  }
0x23: {  	s9 =	sor.u32 $0xD0000000, s2;
	s6 =	simm.s32 $0x108;
	_ =	swait.ge @!p0 [sflag:s8], $0x0  }
0x24: {  	s3 =	sadd.s32 $0x88, s3;
	s6 =	simm.s32 @!p1 $0x1082;
	[sflag:s4] =	ssyncset.s32 $0xFFFFF086  }
0x25: {  	[simem:s6], [sflag:s4] =	dma.local [hbm:s3], $0xF7A  }
0x26: {  	[smem:$0x3F9E] =	sst s1;
	(tag) =	ssettag s2;
	_ =	strace s9  }
0x27: {  	s1 =	sld [smem:$0x3FAE]  }
0x28: {  	s2 =	sld [smem:$0x3FAF]  }
0x29: {  	s4 =	sld [smem:$0x3FB1]  }
0x2a: {  	p0 =	seq.s32 s5, $0x0;
	s5 =	sld [smem:$0x3FB2]  }
0x2b: {  	s6 =	sld [smem:$0x3FB3]  }
0x2c: {  	s7 =	sld [smem:$0x3FB4]  }
0x2d: {  	s3 =	simm.s32 $0x108;
	s8 =	sld [smem:$0x3FB5]  }
0x2e: {  	s3 =	simm.s32 @!p0 $0x1082;
	s9 =	sld [smem:$0x3FB6]  }
0x2f: {  	lr =	sadd.s32 s0, s3;
	s0 =	sld [smem:$0x3FAD]  }
0x30: {  	s3 =	sld [smem:$0x3FB0]  }
0x31: {  	[smem:$0x3FB9] =	sst s10  }
0x32: {  	s10 =	sld [smem:$0x3FB7];
	_ =	sdelay $0x3  }
0x33: {  	p0 =	seq.s32 s10, $0x1;
	s10 =	sld [smem:$0x3FB9];
	_ =	sdelay $0x3  }
0x34: {  	[smem:$0x3FB9] =	sst s10  }
0x35: {  	s10 =	sld [smem:$0x3FB8];
	_ =	sdelay $0x3  }
0x36: {  	p1 =	seq.s32 s10, $0x1;
	s10 =	sld [smem:$0x3FB9];
	_ =	sdelay $0x3  }
0x37: {  	[smem:$0x3FB9] =	sst s10  }
0x38: {  	s10 =	sld [smem:$0x3FBA]  }
0x39: {  	_ = 	snop;
	(pc) =	sbr.ind lr, $3  }
0x3a: {  	_ = 	snop  }
0x3b: {  	_ = 	snop  }
0x3c: {  	p2 =	seq.s32 s10, $0x1;
	s10 =	sld [smem:$0x3FB9]  }
0x3d: {  	_ =	shalt  }
0x3e: {  	_ =	shalt  }
0x3f: {  	_ =	shalt  }
0x40: {  	_ =	shalt  }
0x41: {  	_ =	shalt  }
0x42: {  	_ =	shalt  }
0x43: {  	_ =	shalt  }
0x44: {  	_ =	shalt  }
0x45: {  	_ =	shalt  }
0x46: {  	_ =	shalt  }
0x47: {  	_ =	shalt  }
0x48: {  	_ =	shalt  }
0x49: {  	_ =	shalt  }
0x4a: {  	_ =	shalt  }
0x4b: {  	_ =	shalt  }
0x4c: {  	_ =	shalt  }
0x4d: {  	_ =	shalt  }
0x4e: {  	_ =	shalt  }
0x4f: {  	_ =	shalt  }
0x50: {  	_ =	shalt  }
0x51: {  	_ =	shalt  }
0x52: {  	_ =	shalt  }
0x53: {  	_ =	shalt  }
0x54: {  	_ =	shalt  }
0x55: {  	_ =	shalt  }
0x56: {  	_ =	shalt  }
0x57: {  	_ =	shalt  }
0x58: {  	_ =	shalt  }
0x59: {  	_ =	shalt  }
0x5a: {  	_ =	shalt  }
0x5b: {  	_ =	shalt  }
0x5c: {  	_ =	shalt  }
0x5d: {  	_ =	shalt  }
0x5e: {  	_ =	shalt  }
0x5f: {  	_ =	shalt  }
0x60: {  	_ =	shalt  }
0x61: {  	_ =	shalt  }
0x62: {  	_ =	shalt  }
0x63: {  	_ =	shalt  }
0x64: {  	_ =	shalt  }
0x65: {  	_ =	shalt  }
0x66: {  	_ =	shalt  }
0x67: {  	_ =	shalt  }
0x68: {  	_ =	shalt  }
0x69: {  	_ =	shalt  }
0x6a: {  	_ =	shalt  }
0x6b: {  	_ =	shalt  }
0x6c: {  	_ =	shalt  }
0x6d: {  	_ =	shalt  }
0x6e: {  	_ =	shalt  }
0x6f: {  	_ =	shalt  }
0x70: {  	_ =	shalt  }
0x71: {  	_ =	shalt  }
0x72: {  	_ =	shalt  }
0x73: {  	_ =	shalt  }
0x74: {  	_ =	shalt  }
0x75: {  	_ =	shalt  }
0x76: {  	_ =	shalt  }
0x77: {  	_ =	shalt  }
0x78: {  	_ =	shalt  }
0x79: {  	_ =	shalt  }
0x7a: {  	_ =	shalt  }
0x7b: {  	_ =	shalt  }
0x7c: {  	_ =	shalt  }
0x7d: {  	_ =	shalt  }
0x7e: {  	_ =	shalt  }
0x7f: {  	_ =	shalt  }
0x80: {  	_ =	shalt  }
0x81: {  	_ =	shalt  }
0x82: {  	_ =	shalt  }
0x83: {  	_ =	shalt  }
0x84: {  	_ =	shalt  }
0x85: {  	_ =	shalt  }
0x86: {  	_ =	shalt  }
0x87: {  	_ =	shalt  }
.Lfunc_end0:
.L_simem_size_0:
called_computation_lowered:
.L_overlay_start_0:
0x88: {  	s2 =	sld [smem:$0x3FD9]  }
0x89: {  	s3 =	sld [smem:$0x3FFE];
	_ =	sdelay $0x1  }
0x8a: {  	s1 =	srdreg.scid  }
0x8b: {  	s0 =	sand.u32 $0x1, s1  }
0x8c: {  	s17 =	sshll.u32 s0, $0xA;
	s2 =	sadd.s32 s3, s2  }
0x8d: {  	s2 =	sadd.s32 s2, s17  }
0x8e: {  	[smem:$0x3FC5] =	sst s2  }
0x8f: {  	_ = 	snop  }
0x90: {  	s2 =	sld [smem:$0x3FC7]  }
0x91: {  	s18 =	sld [smem:$0x3FD0];
	(tm) =	ssettm $0x1  }
0x92: {  	s4 =	sld [smem:$0x3FFB];
	_ =	sdelay $0x3  }
0x93: {  	_ =	strace s4  }
0x94: {  	s4 =	sld [smem:$0x3FFC];
	_ =	sdelay $0x3  }
0x95: {  	_ =	strace s4  }
0x96: {  	s4 =	sld [smem:$0x3FFD];
	_ =	sdelay $0x3  }
0x97: {  	_ =	strace s4  }
0x98: {  	_ =	strace $0x8FFFFFFF  }
0x99: {  	s19 =	sld [smem:$0x3FDB];
	_ =	sdelay $0x1  }
0x9a: {  	s5 =	simm.s32 $_scs_section_size  }
0x9b: {  	s6 =	simm.s32 $_size__tile_overlayer_lowered;
	s7 =	simm.s32 $_tile_overlayer_lowered  }
0x9c: {  	s22 =	simm.s32 $0x1BFF;
	s21 =	sshll.u32 s7, $0x1;
	s4 =	sadd.s32 s5, s19  }
0x9d: {  	s8 =	simm.s32 $0x0;
	s20 =	sshll.u32 s6, $0x1;
	s6 =	sadd.s32 s21, s4  }
0x9e: {  	[timem:s8], [sflag:s22] =	dma.local [hbm:s6], s20  }
0x9f: {  	_ =	swait.ge [sflag:s22], s20  }
0xa0: {  	s5 =	ssub.s32 $0x0, s20;
	[sflag:s22] =	ssyncset.done $0x0  }
0xa1: {  	[sflag:s22] =	ssyncadd.s32 s5;
	_ =	sdelay $0x1  }
0xa2: {  	s23 =	simm.s32 $0x1B8B  }
0xa3: {  	_ =	swait.ge [sflag:s23], $0x1  }
0xa4: {  	[sflag:s23] =	ssyncset.done $0x0  }
0xa5: {  	s25 =	simm.s32 $0x1B8E;
	s24 =	sld [smem:$0x3FFE];
	[sflag:s23] =	ssyncadd.s32 $0xFFFFFFFF  }
0xa6: {  	s26 =	simm.s32 $execute0_lowered;
	[smem:$0x3FD2] =	sst s25  }
0xa7: {  	s6 =	sshll.u32 s26, $0x1;
	_ =	strace $0x80000046;
	[dreg:$0x1] =	wrdreg $0xFFFFFFFF  }
0xa8: {  	s28 =	simm.s32 $_size_execute0_lowered;
	s4 =	sadd.s32 s4, s6;
	[dreg:$0x0] =	wrdreg $0x0  }
0xa9: {  	s6 =	sshll.u32 s28, $0x1;
	[dreg:$0x2] =	wrdreg s4  }
0xaa: {  	[dreg:$0x3] =	wrdreg s6  }
0xab: {  	[dreg:$0x4] =	wrdreg $0xC0  }
0xac: {  	_ =	task [dreg:s8], $0x5FFFF  }
0xad: {  	[dreg:$0x1] =	wrdreg $0xFFFFFFFF  }
0xae: {  	[dreg:$0x0] =	wrdreg $0x60  }
0xaf: {  	[dreg:$0x2] =	wrdreg s18  }
0xb0: {  	[dreg:$0x3] =	wrdreg s24  }
0xb1: {  	[dreg:$0x4] =	wrdreg s2  }
0xb2: {  	[dreg:$0x5] =	wrdreg $0x9  }
0xb3: {  	_ =	task.clear_ibuf [dreg:s8], $0x6FFFF;
	_ =	strace $0x90000046  }
0xb4: {  	s29 =	simm.s32 $0x9;
	_ =	strace $0x80000048  }
0xb5: {  	_ =	swait.ge [sflag:s29], $0x1  }
0xb6: {  	[sflag:s29] =	ssyncadd.s32 $0xFFFFFFFF  }
0xb7: {  	_ =	strace $0x90000048  }
0xb8: {  	_ =	sfence  }
0xb9: {  	s30 =	sld [smem:$0x0];
	_ =	sdelay $0x2  }
0xba: {  	s31 =	sshll.u32 s1, $0xD;
	s1 =	sshrl.u32 s1, $0x2  }
0xbb: {  	s3 =	sand.u32 $0x4000, s31;
	s1 =	sadd.s32 s1, s30  }
0xbc: {  	s0 =	sor.u32 s3, s0;
	s1 =	sshll.u32 s1, $0x11  }
0xbd: {  	s0 =	sor.u32 s1, s0  }
0xbe: {  	s0 =	sadd.s32 $0x8F2B, s0  }
0xbf: {  	[sflag:s0] =	ssyncadd.remote.s32 $0x1  }
0xc0: {  	_ =	sfence.sel $0xFFFF  }
0xc1: {  	[dreg:$0x0] =	wrdreg $0xFFFFFFFF;
	(pc) =	sbr.abs _section_cstart, $3  }
0xc2: {  	[dreg:$0x1] =	wrdreg $0xFFFFFFFF  }
0xc3: {  	_ =	task.clear_ibuf [dreg:s8], $0x2FFFF;
	_ =	strace $0x9FFFFFFF  }
0xc4: {  	(tm) =	ssettm $0x7FFFFFFF  }
0xc5: {  	_ =	shalt  }
tec
execute0_lowered:
.L_overlay_start_1:
0x0: {  	(tag) =	ssettag $0x1  }
0x1: {  	s5 =	rddreg [dreg:$0x0]  }
0x2: {  	s6 =	rddreg [dreg:$0x1]  }
0x3: {  	s1 =	rddreg [dreg:$0x2]  }
0x4: {  	s0 =	rddreg [dreg:$0x3];
	s3 =	simm.s32 $0x0  }
0x5: {  	s4 =	srdreg.scid;
	s2 =	stileid.u32;
	s11 =	simm.s32 $0x580  }
0x6: {  	s12 =	simm.s32 $0x800;
	s13 =	simm.s32 $0x400;
	s14 =	simm.s32 $0x7A1400  }
0x7: {  	s15 =	simm.s32 $0xA80;
	s16 =	simm.s32 $0xCA80;
	s17 =	simm.s32 $0x18A80  }
0x8: {  	v0 =	vlaneseq.u32;
	vm0 =	vcmask $0x3F3C;
	v2 =	vimm.s32 $0xC0000000;
	s18 =	simm.s32 $0x0;
	[smem:$0x7FF] =	sst s3;
	s4 =	sand.u32 $0x1, s4  }
.Ltmp0:
0x9: {  	v3 =	vimm.s32 $0x200;
	v11 =	vimm.s32 $0x0;
	s8 =	sshll.u32 s2, $0x7;
	v1 =	vor.u32 $0x70, v0;
	_ =	strace $0x80000047;
	(pc) =	sbr.rel .LBB2_1-.Ltmp0, $4  }
0xa: {  	v4 =	vor.u32 $0x4000, v0;
	v5 =	vor.u32 $0x4010, v0;
	v6 =	vor.u32 $0x4020, v0;
	s7 =	ssub.s32 $0x2, s4;
	s9 =	sshll.u32 s4, $0x6;
	s4 =	sadd.s32 $0x800, s6  }
0xb: {  	v7 =	vor.u32 $0x4030, v0;
	v8 =	vor.u32 $0x4040, v0;
	v10 =	vmul.u32 $0x80, v0;
	s10 =	sshrl.u32 s7, $0x1;
	s8 =	sor.u32 s9, s8;
	s9 =	simm.s32 $0xC  }
0xc: {  	v9 =	vor.u32 $0x4050, v0;
	v12 =	vor.u32 $0x4060, v0;
	v13 =	vor.u32 $0x4070, v0;
	s7 =	ssub.s32 s7, s10;
	s5 =	sadd.s32 s5, s8;
	s6 =	sadd.s32 s6, s8  }
0xd: {  	v14 =	vor.u32 $0x800, v10;
	v15 =	vor.u32 $0x1000, v10;
	v16 =	vor.u32 $0x1800, v10;
	s8 =	simm.s32 $0x80;
	s10 =	simm.s32 $0x300;
	s7 =	smax.u32 s7, $0x1  }
.LBB2_12:
0xe: {  	p0 =	slt.s32 s20, $0x1  }
0xf: {  	s19 =	simm.s32 @!p0 $0x80;
	s20 =	simm.s32 @!p0 $0x18A80;
	s21 =	simm.s32 @!p0 $0x14A80  }
0x10: {  	[hbm4b:s4+s19] =	stream.indirect.scatter @!p0 [tilespmem:s21], [sflag:$0xB], $0x80, s20, s19, $0xb8;
	[tilespmem:$0x18B00] =	vst v63  }
0x11: {  	s19 =	simm.s32 @!p0 $0xB  }
0x12: {  	_ =	swait.ge @!p0 [sflag:s19], $0x4000  }
0x13: {  	v17 =	vlaneseq.u32 @!p0;
	[sflag:s19] =	ssyncset.done @!p0 $0x0  }
0x14: {  	v18 =	vor.u32 @!p0 $0x4000, v17;
	[sflag:s19] =	ssyncadd.s32 @!p0 $0xFFFFC000  }
0x15: {  	[tilespmem:$0x18A80] =	vst @!p0 v18;
	v18 =	vor.u32 @!p0 $0x4010, v17  }
0x16: {  	[tilespmem:$0x18A90] =	vst @!p0 v18;
	v18 =	vor.u32 @!p0 $0x4020, v17  }
0x17: {  	[tilespmem:$0x18AA0] =	vst @!p0 v18;
	v18 =	vor.u32 @!p0 $0x4030, v17  }
0x18: {  	[tilespmem:$0x18AB0] =	vst @!p0 v18;
	v18 =	vor.u32 @!p0 $0x4040, v17  }
0x19: {  	[tilespmem:$0x18AC0] =	vst @!p0 v18;
	v18 =	vor.u32 @!p0 $0x4050, v17  }
0x1a: {  	[tilespmem:$0x18AD0] =	vst @!p0 v18;
	v18 =	vor.u32 @!p0 $0x4060, v17  }
0x1b: {  	v17 =	vor.u32 @!p0 $0x4070, v17;
	[tilespmem:$0x18AE0] =	vst @!p0 v18  }
0x1c: {  	[tilespmem:$0x18AF0] =	vst @!p0 v17  }
.LBB2_13:
0x1d: {  	s18 =	sadd.s32 $0x1, s18  }
0x1e: {  	p0 =	sne.s32 s18, s7  }
.Ltmp1:
0x1f: {  	_ = 	snop;
	(pc) =	sbr.rel @!p0 .LBB2_14-.Ltmp1, $1  }
0x20: {  	_ =	sdelay $0x3  }
.LBB2_1:
0x21: {  	[tilespmem:s8], [sflag:$0xC] =	stream.linear.gather [hbm4b:s5+s3], $0x200, $0x38;
	[tilespmem:$0x18B00] =	vst v63  }
0x22: {  	_ =	swait.ge [sflag:s9], $0x200  }
0x23: {  	[sflag:s9] =	ssyncset.done $0x0  }
0x24: {  	[sflag:s9] =	ssyncadd.s32 $0xFFFFFE00  }
0x25: {  	[tilespmem:s10], [sflag:$0xC] =	stream.linear.gather [hbm4b:s6+s3], $0x200, $0x38;
	[tilespmem:$0x18B00] =	vst v63  }
0x26: {  	_ =	swait.ge [sflag:s9], $0x200  }
0x27: {  	[sflag:s9] =	ssyncset.done $0x0  }
0x28: {  	[sflag:s9] =	ssyncadd.s32 $0xFFFFFE00  }
0x29: {  	s19 =	simm.s32 $0x7F;
	[tilespmem:v1+s3+$0x0] =	vst.idx.msk vm0, v2  }
0x2a: {  	s20 =	sand.u32 $0x1F0, s3;
	v17 =	vld [tilespmem:s19+$0x0]  }
0x2b: {  	v18 =	vld [tilespmem:s20+$0x80];
	_ =	sdelay $0x4  }
0x2c: {  	v17 =	vxor.u32 v18, v17  }
0x2d: {  	vm1 =	vgt.u32 v17, $0x7F  }
0x2e: {  	v17 =	vsel vm1, $0x1, v11  }
0x2f: {  	(xrf0) =	vadd.scan.msk.s32 $0xffff, v17;
	_ =	sdelay $0x5  }
0x30: {  	s31 =	simm.s32 $0xFFFFFFFF;
	v17, _, _ =	vpop (xrf0)  }
0x31: {  	v19 =	vadd.s32 s31, v17;
	(v2sf) =	vpush v17, $0xF;
	_ =	sdelay $0x3  }
0x32: {  	v18 =	vand.u32 $0xFFFFFF80, v18  }
0x33: {  	[tilespmem:v19+s11+$0x0] =	vst.idx.msk vm1, v18;
	v18 =	vor.u32 s3, v0  }
0x34: {  	s21 =	simm.s32 $0x8F;
	s20 =	simm.s32 $0x10;
	[tilespmem:v19+s12+$0x0] =	vst.idx.msk vm1, v18  }
0x35: {  	s22 =	simm.s32 $0x20;
	s19 =	simm.s32 $0x0;
	s23 =	sand.u32 $0x1F0, s20;
	v17 =	vld [tilespmem:s21+$0x0]  }
.LBB2_2:
0x36: {  	p0 =	sne.s32 s22, $0x1F0;
	v18 =	vld [tilespmem:s23+$0x80];
	_ =	sdelay $0x4  }
0x37: {  	v17 =	vxor.u32 v18, v17;
	v18 =	vand.u32 $0xFFFFFF80, v18  }
0x38: {  	vm1 =	vgt.u32 v17, $0x7F  }
0x39: {  	v17 =	vsel vm1, $0x1, v11;
	s23 =	spop (v2sf)  }
0x3a: {  	(xrf0) =	vadd.scan.msk.s32 $0xffff, v17;
	s19 =	sadd.s32 s19, s23  }
0x3b: {  	s23 =	sadd.s32 $0xFFFFFFFF, s19;
	_ =	sdelay $0x4  }
0x3c: {  	v17, _, _ =	vpop (xrf0)  }
0x3d: {  	v19 =	vadd.s32 s23, v17;
	(v2sf) =	vpush v17, $0xF;
	_ =	sdelay $0x2  }
.Ltmp2:
0x3e: {  	(pc) =	sbr.rel @p0 .LBB2_2-.Ltmp2, $4  }
0x3f: {  	_ = 	snop  }
0x40: {  	v17 =	vor.u32 s20, v0;
	s20 =	smov.u32 s22;
	[tilespmem:v19+s11+$0x0] =	vst.idx.msk vm1, v18  }
0x41: {  	s21 =	sadd.s32 $0x10, s21;
	[tilespmem:v19+s12+$0x0] =	vst.idx.msk vm1, v17  }
0x42: {  	s22 =	sadd.s32 $0x10, s22;
	s23 =	sand.u32 $0x1F0, s20;
	v17 =	vld [tilespmem:s21+$0x0]  }
0x43: {  	v18 =	vld [tilespmem:s23+$0x80];
	_ =	sdelay $0x4  }
0x44: {  	v17 =	vxor.u32 v18, v17  }
0x45: {  	vm1 =	vgt.u32 v17, $0x7F  }
0x46: {  	v17 =	vsel vm1, $0x1, v11  }
0x47: {  	(xrf0) =	vadd.scan.msk.s32 $0xffff, v17;
	_ =	sdelay $0x5  }
0x48: {  	v17, _, _ =	vpop (xrf0)  }
0x49: {  	(v2sf) =	vpush v17, $0xF;
	_ =	sdelay $0xb  }
0x4a: {  	s21 =	spop (v2sf)  }
0x4b: {  	s19 =	sadd.s32 s19, s21  }
0x4c: {  	s21 =	sadd.s32 $0xFFFFFFFF, s19  }
0x4d: {  	v17 =	vadd.s32 s21, v17;
	s31 =	spop (v2sf)  }
0x4e: {  	s19 =	sadd.s32 s19, s31  }
0x4f: {  	v19 =	vmov s19;
	_ =	sdelay $0x1  }
0x50: {  	v18 =	vand.u32 $0xFFFFFF80, v18  }
0x51: {  	[tilespmem:v17+s11+$0x0] =	vst.idx.msk vm1, v18;
	v18 =	vor.u32 s20, v0  }
0x52: {  	[tilespmem:v17+s12+$0x0] =	vst.idx.msk vm1, v18  }
0x53: {  	[tilespmem:v19+s12+$0x0] =	vst.idx.msk $0x1, v3  }
0x54: {  	[tilespmem:$0x18A80] =	vst v4  }
0x55: {  	[tilespmem:$0x18A90] =	vst v5  }
0x56: {  	p0 =	slt.s32 s19, $0x1;
	[tilespmem:$0x18AA0] =	vst v6  }
.Ltmp3:
0x57: {  	[tilespmem:$0x18AB0] =	vst v7;
	(pc) =	sbr.rel @p0 .LBB2_13-.Ltmp3, $4  }
0x58: {  	[tilespmem:$0x18AC0] =	vst v8  }
0x59: {  	[tilespmem:$0x18AD0] =	vst v9  }
0x5a: {  	[tilespmem:$0x18AE0] =	vst v12  }
0x5b: {  	[tilespmem:$0x18AF0] =	vst v13  }
0x5c: {  	v17 =	vld [tilespmem:$0x580];
	_ =	sdelay $0x4  }
0x5d: {  	(v2sf) =	vpush v17, $0x0;
	_ =	sdelay $0xe  }
0x5e: {  	s20 =	spop (v2sf)  }
0x5f: {  	s20 =	sand.u32 $0xFFFFF80, s20  }
0x60: {  	p0 =	seq.s32 s19, $0x1;
	s20 =	sadd.s32 s1, s20  }
0x61: {  	[tilespmem:s15], [sflag:$0x1] =	stream.strided.gather [hbm4b:s20+s13], $0x2000, s14, s13, $0x38;
	[tilespmem:$0x18B00] =	vst v63  }
0x62: {  	v17 =	vld @!p0 [tilespmem:$0x581];
	_ =	sdelay $0x4  }
0x63: {  	(v2sf) =	vpush @!p0 v17, $0x0;
	_ =	sdelay $0xe  }
0x64: {  	s21 =	simm.s32 @!p0 $0x400;
	s20 =	spop @!p0 (v2sf)  }
0x65: {  	s22 =	simm.s32 @!p0 $0x7A1400;
	s20 =	sand.u32 @!p0 $0xFFFFF80, s20  }
0x66: {  	s23 =	simm.s32 @!p0 $0x2A80;
	p1 =	slt.u32 @!p0 s19, $0x3;
	s20 =	sadd.s32 @!p0 s1, s20  }
0x67: {  	[tilespmem:s23], [sflag:$0x2] =	stream.strided.gather @!p0 [hbm4b:s20+s21], $0x2000, s22, s21, $0x38;
	[tilespmem:$0x18B00] =	vst v63  }
0x68: {  	p0 =	por p0, p1  }
0x69: {  	v17 =	vld @!p0 [tilespmem:$0x582];
	_ =	sdelay $0x4  }
0x6a: {  	(v2sf) =	vpush @!p0 v17, $0x0;
	_ =	sdelay $0xe  }
0x6b: {  	s21 =	simm.s32 @!p0 $0x400;
	s20 =	spop @!p0 (v2sf)  }
0x6c: {  	s22 =	simm.s32 @!p0 $0x7A1400;
	s20 =	sand.u32 @!p0 $0xFFFFF80, s20  }
0x6d: {  	s23 =	simm.s32 @!p0 $0x4A80;
	p1 =	seq.s32 @!p0 s19, $0x3;
	s20 =	sadd.s32 @!p0 s1, s20  }
0x6e: {  	[tilespmem:s23], [sflag:$0x3] =	stream.strided.gather @!p0 [hbm4b:s20+s21], $0x2000, s22, s21, $0x38;
	[tilespmem:$0x18B00] =	vst v63  }
0x6f: {  	p0 =	por p0, p1  }
0x70: {  	v17 =	vld @!p0 [tilespmem:$0x583];
	_ =	sdelay $0x4  }
0x71: {  	(v2sf) =	vpush @!p0 v17, $0x0;
	_ =	sdelay $0xe  }
0x72: {  	s21 =	simm.s32 @!p0 $0x400;
	s20 =	spop @!p0 (v2sf)  }
0x73: {  	s22 =	simm.s32 @!p0 $0x7A1400;
	s20 =	sand.u32 @!p0 $0xFFFFF80, s20  }
0x74: {  	s23 =	simm.s32 @!p0 $0x6A80;
	p1 =	slt.u32 @!p0 s19, $0x5;
	s20 =	sadd.s32 @!p0 s1, s20  }
0x75: {  	[tilespmem:s23], [sflag:$0x4] =	stream.strided.gather @!p0 [hbm4b:s20+s21], $0x2000, s22, s21, $0x38;
	[tilespmem:$0x18B00] =	vst v63  }
0x76: {  	p0 =	por p0, p1  }
0x77: {  	v17 =	vld @!p0 [tilespmem:$0x584];
	_ =	sdelay $0x4  }
0x78: {  	(v2sf) =	vpush @!p0 v17, $0x0;
	_ =	sdelay $0xe  }
0x79: {  	s21 =	simm.s32 @!p0 $0x400;
	s20 =	spop @!p0 (v2sf)  }
0x7a: {  	s22 =	simm.s32 @!p0 $0x7A1400;
	s20 =	sand.u32 @!p0 $0xFFFFF80, s20  }
0x7b: {  	s23 =	simm.s32 @!p0 $0x8A80;
	p1 =	seq.s32 @!p0 s19, $0x5;
	s20 =	sadd.s32 @!p0 s1, s20  }
0x7c: {  	[tilespmem:s23], [sflag:$0x5] =	stream.strided.gather @!p0 [hbm4b:s20+s21], $0x2000, s22, s21, $0x38;
	[tilespmem:$0x18B00] =	vst v63  }
0x7d: {  	p0 =	por p0, p1  }
0x7e: {  	v17 =	vld @!p0 [tilespmem:$0x585];
	_ =	sdelay $0x4  }
0x7f: {  	(v2sf) =	vpush @!p0 v17, $0x0;
	_ =	sdelay $0xe  }
0x80: {  	s21 =	simm.s32 @!p0 $0x400;
	s20 =	spop @!p0 (v2sf)  }
0x81: {  	s22 =	simm.s32 @!p0 $0x7A1400;
	s20 =	sand.u32 @!p0 $0xFFFFF80, s20  }
0x82: {  	s23 =	simm.s32 @!p0 $0xAA80;
	p1 =	slt.u32 @!p0 s19, $0x7;
	s20 =	sadd.s32 @!p0 s1, s20  }
0x83: {  	[tilespmem:s23], [sflag:$0x6] =	stream.strided.gather @!p0 [hbm4b:s20+s21], $0x2000, s22, s21, $0x38;
	[tilespmem:$0x18B00] =	vst v63  }
0x84: {  	p0 =	por p0, p1  }
.Ltmp4:
0x85: {  	_ = 	snop;
	(pc) =	sbr.rel @p0 .LBB2_6-.Ltmp4, $1  }
0x86: {  	_ =	sdelay $0x3  }
0x87: {  	v17 =	vld [tilespmem:$0x586];
	_ =	sdelay $0x4  }
0x88: {  	(v2sf) =	vpush v17, $0x0;
	_ =	sdelay $0xe  }
0x89: {  	s20 =	spop (v2sf)  }
0x8a: {  	s20 =	sand.u32 $0xFFFFF80, s20  }
0x8b: {  	p0 =	seq.s32 s19, $0x7;
	s20 =	sadd.s32 s1, s20  }
0x8c: {  	[tilespmem:s16], [sflag:$0x7] =	stream.strided.gather [hbm4b:s20+s13], $0x2000, s14, s13, $0x38;
	[tilespmem:$0x18B00] =	vst v63  }
0x8d: {  	v17 =	vld @!p0 [tilespmem:$0x587];
	_ =	sdelay $0x4  }
0x8e: {  	(v2sf) =	vpush @!p0 v17, $0x0;
	_ =	sdelay $0xe  }
0x8f: {  	s22 =	simm.s32 @!p0 $0x7A1400;
	s20 =	spop @!p0 (v2sf)  }
0x90: {  	s21 =	simm.s32 @!p0 $0x400;
	p1 =	slt.u32 @!p0 s19, $0x9;
	s20 =	sand.u32 @!p0 $0xFFFFF80, s20  }
0x91: {  	s23 =	simm.s32 @!p0 $0xEA80;
	p2 =	por p1, p0;
	s20 =	sadd.s32 @!p0 s1, s20  }
0x92: {  	[tilespmem:s23], [sflag:$0x8] =	stream.strided.gather @!p0 [hbm4b:s20+s21], $0x2000, s22, s21, $0x38;
	[tilespmem:$0x18B00] =	vst v63  }
0x93: {  	v17 =	vld @!p2 [tilespmem:$0x588];
	_ =	sdelay $0x4  }
0x94: {  	(v2sf) =	vpush @!p2 v17, $0x0;
	_ =	sdelay $0xe  }
0x95: {  	s20 =	spop @!p2 (v2sf)  }
0x96: {  	s21 =	simm.s32 @!p2 $0x400;
	s20 =	sand.u32 @!p2 $0xFFFFF80, s20  }
0x97: {  	s22 =	simm.s32 @!p2 $0x7A1400;
	s23 =	simm.s32 @!p2 $0x10A80;
	s20 =	sadd.s32 @!p2 s1, s20  }
0x98: {  	[tilespmem:s23], [sflag:$0x9] =	stream.strided.gather @!p2 [hbm4b:s20+s21], $0x2000, s22, s21, $0x38;
	[tilespmem:$0x18B00] =	vst v63  }
0x99: {  	p2 =	seq.s32 @!p2 s19, $0x9  }
0x9a: {  	p1 =	por @!p0 p2, p1  }
0x9b: {  	p0 =	por p1, p0  }
0x9c: {  	v17 =	vld @!p0 [tilespmem:$0x589];
	_ =	sdelay $0x4  }
0x9d: {  	(v2sf) =	vpush @!p0 v17, $0x0;
	_ =	sdelay $0xe  }
0x9e: {  	s20 =	spop @!p0 (v2sf)  }
0x9f: {  	s21 =	simm.s32 @!p0 $0x400;
	s20 =	sand.u32 @!p0 $0xFFFFF80, s20  }
0xa0: {  	s22 =	simm.s32 @!p0 $0x7A1400;
	s23 =	simm.s32 @!p0 $0x12A80;
	s20 =	sadd.s32 @!p0 s1, s20  }
0xa1: {  	[tilespmem:s23], [sflag:$0xA] =	stream.strided.gather @!p0 [hbm4b:s20+s21], $0x2000, s22, s21, $0x38;
	[tilespmem:$0x18B00] =	vst v63  }
.LBB2_6:
.Ltmp5:
0xa2: {  	(pc) =	sbr.rel .LBB2_8-.Ltmp5, $2  }
0xa3: {  	_ =	sdelay $0x2  }
0xa4: {  	s20 =	simm.s32 $0x0;
	s21 =	simm.s32 $0x0  }
.LBB2_11:
0xa5: {  	_ =	sdelay $0x2  }
0xa6: {  	[tilespmem:s25+$0x14AB0] =	vst v31  }
0xa7: {  	s22 =	simm.s32 @!p1 $0xB;
	[tilespmem:v22+s17+$0x0] =	vst.idx.msk $0x1, v21  }
0xa8: {  	[hbm4b:s4+s26] =	stream.indirect.scatter @!p1 [tilespmem:s29], [sflag:$0xB], $0x80, s28, s26, $0xb8;
	[tilespmem:$0x18B00] =	vst v63  }
0xa9: {  	_ =	swait.ge @!p1 [sflag:s22], $0x4000  }
0xaa: {  	[sflag:s22] =	ssyncset.done @!p1 $0x0  }
0xab: {  	[sflag:s22] =	ssyncadd.s32 @!p1 $0xFFFFC000  }
0xac: {  	[tilespmem:$0x18A80] =	vst @!p1 v25  }
0xad: {  	[tilespmem:$0x18AF0] =	vst @!p1 v28  }
0xae: {  	[tilespmem:$0x18AE0] =	vst @!p1 v23  }
0xaf: {  	[tilespmem:$0x18AD0] =	vst @!p1 v30  }
0xb0: {  	[tilespmem:$0x18AC0] =	vst @!p1 v26  }
0xb1: {  	[tilespmem:$0x18AB0] =	vst @!p1 v24  }
0xb2: {  	[tilespmem:$0x18AA0] =	vst @!p1 v29  }
0xb3: {  	[tilespmem:$0x18A90] =	vst @!p1 v27  }
.LBB2_7:
0xb4: {  	s21 =	sadd.s32 $0x1, s21  }
0xb5: {  	p0 =	seq.s32 s21, s19  }
.Ltmp6:
0xb6: {  	_ = 	snop;
	(pc) =	sbr.rel @p0 .LBB2_12-.Ltmp6, $1  }
0xb7: {  	_ =	sdelay $0x3  }
.LBB2_8:
0xb8: {  	s22 =	smulhi.u32 $0xCCCCCCCD, s21;
	_ =	sdelay $0x1  }
0xb9: {  	s22 =	sshrl.u32 s22, $0x3  }
0xba: {  	s22 =	smul.u32 $0xA, s22;
	_ =	sdelay $0x1  }
0xbb: {  	s23 =	ssub.s32 s21, s22  }
0xbc: {  	s22 =	sadd.s32 $0x1, s23  }
0xbd: {  	_ =	swait.ge [sflag:s22], $0x2000  }
0xbe: {  	s24 =	sadd.s32 $0xA, s21;
	[sflag:s22] =	ssyncset.done $0x0  }
0xbf: {  	p0 =	sge.s32 s24, s19;
	[sflag:s22] =	ssyncadd.s32 $0xFFFFE000  }
0xc0: {  	v17 =	vld @!p0 [tilespmem:s24+$0x580];
	_ =	sdelay $0x4  }
0xc1: {  	(v2sf) =	vpush @!p0 v17, $0x0;
	_ =	sdelay $0xe  }
0xc2: {  	s24 =	sshll.u32 @!p0 s23, $0xD;
	s25 =	spop @!p0 (v2sf)  }
0xc3: {  	s26 =	simm.s32 @!p0 $0x400;
	s24 =	sand.u32 @!p0 $0x3FFFE000, s24;
	s25 =	sand.u32 @!p0 $0xFFFFF80, s25  }
0xc4: {  	s28 =	simm.s32 @!p0 $0x7A1400;
	s24 =	sor.u32 @!p0 $0xA80, s24;
	s25 =	sadd.s32 @!p0 s1, s25  }
0xc5: {  	[tilespmem:s24], [sflag:s22] =	stream.strided.gather @!p0 [hbm4b:s25+s26], $0x2000, s28, s26, $0x38;
	[tilespmem:$0x18B00] =	vst v63  }
0xc6: {  	v17 =	vld [tilespmem:s21+$0x800]  }
0xc7: {  	v18 =	vld [tilespmem:s21+$0x801];
	_ =	sdelay $0x3  }
0xc8: {  	(v2sf) =	vpush v17, $0x0  }
0xc9: {  	(v2sf) =	vpush v18, $0x0;
	_ =	sdelay $0xd  }
0xca: {  	s24 =	spop (v2sf)  }
0xcb: {  	s22 =	spop (v2sf)  }
0xcc: {  	p0 =	sge.s32 s24, s22  }
.Ltmp7:
0xcd: {  	_ = 	snop;
	(pc) =	sbr.rel @p0 .LBB2_7-.Ltmp7, $1  }
0xce: {  	_ =	sdelay $0x3  }
0xcf: {  	v17 =	vld [tilespmem:s24+$0x80];
	_ =	sdelay $0x4  }
0xd0: {  	(v2sf) =	vpush v17, $0x0;
	_ =	sdelay $0xe  }
0xd1: {  	s26 =	sshll.u32 s23, $0xD;
	s30 =	spop (v2sf)  }
0xd2: {  	v17 =	vor.u32 s26, v10;
	s28 =	sand.u32 $0x7F, s30  }
0xd3: {  	v19 =	vor.u32 s28, v17;
	_ =	sdelay $0x4  }
0xd4: {  	v18 =	vor.u32 s26, v14;
	v19 =	vld.idx.msk [tilespmem:v19+s15+$0x0], $0xffff  }
0xd5: {  	v20 =	vor.u32 s28, v18  }
0xd6: {  	s31 =	sshll.u32 s24, $0x2  }
0xd7: {  	s25 =	sshll.u32 s20, $0x9;
	s23 =	sshra.s32 s31, $0x2  }
0xd8: {  	s25 =	sshra.s32 s25, $0x2;
	s23 =	sadd.s32 $0x300, s23  }
0xd9: {  	v21 =	vld.msk [tilespmem:s23+$0x0 ss:$0x0], $0xffff;
	[tilespmem:s25+$0x14A80] =	vst v19  }
0xda: {  	v19 =	vor.u32 s26, v15;
	v20 =	vld.idx.msk [tilespmem:v20+s15+$0x0], $0xffff  }
0xdb: {  	v22 =	vor.u32 s28, v19;
	_ =	sdelay $0x3  }
0xdc: {  	[tilespmem:s25+$0x14A90] =	vst v20  }
0xdd: {  	v20 =	vor.u32 s26, v16;
	v24 =	vld.idx.msk [tilespmem:v22+s15+$0x0], $0xffff  }
0xde: {  	v27 =	vor.u32 s28, v20;
	_ =	sdelay $0x1  }
0xdf: {  	s24 =	sadd.s32 $0x1, s24  }
0xe0: {  	p0 =	seq.s32 s22, s24;
	v22 =	vmov s20;
	s20 =	sadd.s32 $0x1, s20  }
.Ltmp8:
0xe1: {  	p1 =	sne.s32 s20, $0x80;
	[tilespmem:s25+$0x14AA0] =	vst v24;
	(pc) =	sbr.rel @p0 .LBB2_11-.Ltmp8, $4  }
0xe2: {  	v29 =	vlaneseq.u32 @!p1;
	v31 =	vld.idx.msk [tilespmem:v27+s15+$0x0], $0xffff  }
0xe3: {  	v25 =	vor.u32 @!p1 $0x4000, v29;
	v23 =	vor.u32 @!p1 $0x4060, v29  }
0xe4: {  	s26 =	simm.s32 @!p1 $0x80;
	v28 =	vor.u32 @!p1 $0x4070, v29;
	v26 =	vor.u32 @!p1 $0x4040, v29;
	v30 =	vor.u32 @!p1 $0x4050, v29  }
0xe5: {  	s28 =	simm.s32 @!p1 $0x18A80;
	s29 =	simm.s32 @!p1 $0x14A80;
	s20 =	simm.s32 @!p1 $0x0;
	v24 =	vor.u32 @!p1 $0x4030, v29;
	v27 =	vor.u32 @!p1 $0x4010, v29;
	v29 =	vor.u32 @!p1 $0x4020, v29  }
.LBB2_10:
0xe6: {  	s23 =	sadd.s32 $0x1, s23;
	s30 =	smov.u32 s24;
	s24 =	sadd.s32 $0x1, s24  }
0xe7: {  	p0 =	seq.s32 s22, s24;
	[tilespmem:s25+$0x14AB0] =	vst v31  }
0xe8: {  	s25 =	simm.s32 @!p1 $0xB;
	[tilespmem:v22+s17+$0x0] =	vst.idx.msk $0x1, v21  }
0xe9: {  	[hbm4b:s4+s26] =	stream.indirect.scatter @!p1 [tilespmem:s29], [sflag:$0xB], $0x80, s28, s26, $0xb8;
	[tilespmem:$0x18B00] =	vst v63  }
0xea: {  	_ =	swait.ge @!p1 [sflag:s25], $0x4000  }
0xeb: {  	[sflag:s25] =	ssyncset.done @!p1 $0x0  }
0xec: {  	[sflag:s25] =	ssyncadd.s32 @!p1 $0xFFFFC000  }
0xed: {  	[tilespmem:$0x18A80] =	vst @!p1 v25  }
0xee: {  	[tilespmem:$0x18AF0] =	vst @!p1 v28  }
0xef: {  	[tilespmem:$0x18AE0] =	vst @!p1 v23  }
0xf0: {  	[tilespmem:$0x18AD0] =	vst @!p1 v30  }
0xf1: {  	[tilespmem:$0x18AC0] =	vst @!p1 v26  }
0xf2: {  	[tilespmem:$0x18AB0] =	vst @!p1 v24  }
0xf3: {  	[tilespmem:$0x18AA0] =	vst @!p1 v29  }
0xf4: {  	[tilespmem:$0x18A90] =	vst @!p1 v27  }
0xf5: {  	v21 =	vld [tilespmem:s30+$0x80];
	_ =	sdelay $0x4  }
0xf6: {  	(v2sf) =	vpush v21, $0x0;
	_ =	sdelay $0xe  }
0xf7: {  	s25 =	spop (v2sf)  }
0xf8: {  	s26 =	sand.u32 $0x7F, s25  }
0xf9: {  	v22 =	vor.u32 s26, v17;
	v23 =	vor.u32 s26, v18;
	_ =	sdelay $0x1  }
0xfa: {  	s25 =	sshll.u32 s20, $0x9  }
0xfb: {  	s25 =	sshra.s32 s25, $0x2;
	v21 =	vld.msk [tilespmem:s23+$0x0 ss:$0x0], $0xffff;
	_ =	sdelay $0x1  }
0xfc: {  	v22 =	vld.idx.msk [tilespmem:v22+s15+$0x0], $0xffff;
	_ =	sdelay $0x1  }
0xfd: {  	v24 =	vor.u32 s26, v19;
	_ =	sdelay $0x3  }
0xfe: {  	[tilespmem:s25+$0x14A80] =	vst v22  }
0xff: {  	v22 =	vld.idx.msk [tilespmem:v23+s15+$0x0], $0xffff;
	_ =	sdelay $0x1  }
0x100: {  	v23 =	vor.u32 s26, v20;
	_ =	sdelay $0x3  }
0x101: {  	[tilespmem:s25+$0x14A90] =	vst v22  }
0x102: {  	v24 =	vld.idx.msk [tilespmem:v24+s15+$0x0], $0xffff;
	_ =	sdelay $0x1  }
0x103: {  	v22 =	vmov s20;
	_ =	sdelay $0x2  }
0x104: {  	s20 =	sadd.s32 $0x1, s20  }
.Ltmp9:
0x105: {  	p1 =	sne.s32 s20, $0x80;
	[tilespmem:s25+$0x14AA0] =	vst v24;
	(pc) =	sbr.rel @!p0 .LBB2_10-.Ltmp9, $4  }
0x106: {  	s26 =	simm.s32 @!p1 $0x80;
	s28 =	simm.s32 @!p1 $0x18A80;
	s29 =	simm.s32 @!p1 $0x14A80;
	v29 =	vlaneseq.u32 @!p1;
	v31 =	vld.idx.msk [tilespmem:v23+s15+$0x0], $0xffff  }
0x107: {  	s20 =	simm.s32 @!p1 $0x0;
	v25 =	vor.u32 @!p1 $0x4000, v29;
	v28 =	vor.u32 @!p1 $0x4070, v29;
	v23 =	vor.u32 @!p1 $0x4060, v29  }
0x108: {  	v26 =	vor.u32 @!p1 $0x4040, v29;
	v30 =	vor.u32 @!p1 $0x4050, v29;
	v24 =	vor.u32 @!p1 $0x4030, v29  }
0x109: {  	v27 =	vor.u32 @!p1 $0x4010, v29;
	v29 =	vor.u32 @!p1 $0x4020, v29  }
.Ltmp10:
0x10a: {  	_ = 	snop;
	(pc) =	sbr.rel .LBB2_11-.Ltmp10, $1  }
0x10b: {  	_ =	sdelay $0x3  }
.LBB2_14:
0x10c: {  	_ =	sfence.sel $0x180000  }
0x10d: {  	[bflag:$0x0] =	sbarrier.arrive $0xFFFF  }
0x10e: {  	p0 =	sne.s32 s2, $0x0;
	_ =	strace $0x90000047  }
0x10f: {  	s0 =	sadd.s32 @!p0 $0x100000, s0;
	[bflag:$0x2] =	sbarrier.arrive $0xFFFF  }
0x110: {  	[sflag:s0] =	ssyncadd.tile.s32 @!p0 $0x1;
	_ =	shalt  }
.Lfunc_end2:
_tile_overlayer_lowered:
.L_overlay_start_2:
0x111: {  	(tag) =	ssettag $0x2  }
0x112: {  	s0 =	rddreg [dreg:$0x0];
	s2 =	stileid.u32  }
0x113: {  	s1 =	rddreg [dreg:$0x1];
	p0 =	sne.s32 s2, $0x0  }
0x114: {  	s3 =	rddreg [dreg:$0x2];
	[bflag:$0x3] =	sbarrier.arrive $0xFFFF;
	s2 =	simm.s32 @!p0 $0x1C0C  }
0x115: {  	[timem:s3], [sflag:s2] =	dma.local @!p0 [hbm:s0], s1  }
0x116: {  	s0 =	simm.s32 @!p0 $0xC  }
0x117: {  	_ =	swait.ge @!p0 [sflag:s0], s1  }
0x118: {  	s1 =	ssub.s32 @!p0 $0x0, s1;
	[sflag:s0] =	ssyncset.done @!p0 $0x0  }
0x119: {  	[sflag:s0] =	ssyncadd.s32 @!p0 s1  }
0x11a: {  	[bflag:$0x3] =	sbarrier.arrive $0xFFFF  }
0x11b: {  	_ =	shalt  }

// kernel: kernel.7.cloned.1.call-start
scs
__scs_entry_jumppad:
0x0: {  	(pc) =	sbr.rel $0x88, $3  }
0x1: {  	(tag) =	ssettag $0x0;
	lr =	simm.s32 $0x1  }
0x2: {  	[smem:$0x3F9E] =	sst lr;
	_ =	strace $0xD0000000  }
0x3: {  	_ = 	snop  }
0x4: {  	_ = 	snop  }
0x5: {  	_ = 	snop  }
0x6: {  	_ = 	snop  }
0x7: {  	_ = 	snop  }
__scs_overlays_trampoline_lowered:
0x8: {  	[smem:$0x3FAD] =	sst s0  }
0x9: {  	[smem:$0x3FAE] =	sst s1  }
0xa: {  	[smem:$0x3FAF] =	sst s2  }
0xb: {  	[smem:$0x3FB0] =	sst s3  }
0xc: {  	[smem:$0x3FB1] =	sst s4  }
0xd: {  	[smem:$0x3FB2] =	sst s5  }
0xe: {  	[smem:$0x3FB3] =	sst s6  }
0xf: {  	[smem:$0x3FB4] =	sst s7  }
0x10: {  	[smem:$0x3FB5] =	sst s8  }
0x11: {  	[smem:$0x3FB6] =	sst s9;
	s0 =	simm.s32 @!p0 $0x0  }
0x12: {  	s1 =	sld [smem:$0x3F9C];
	s0 =	simm.s32 @p0 $0x1  }
0x13: {  	[smem:$0x3FB7] =	sst s0;
	s0 =	simm.s32 @!p1 $0x0  }
0x14: {  	s2 =	sld [smem:$0x3F9B];
	s0 =	simm.s32 @p1 $0x1  }
0x15: {  	[smem:$0x3FB8] =	sst s0;
	s0 =	simm.s32 @!p2 $0x0  }
0x16: {  	s3 =	sld [smem:$0x3FDB];
	s0 =	simm.s32 @p2 $0x1  }
0x17: {  	s4 =	simm.s32 $0x1BF5;
	[smem:$0x3FBA] =	sst s0  }
0x18: {  	s0 =	sld [smem:$0x3F9D];
	_ =	swait.ge [sflag:s4], $0x0  }
0x19: {  	s7 =	sld [smem:$0x3F9E]  }
0x1a: {  	s8 =	sadd.s32 $0xFFFFE003, lr  }
0x1b: {  	s9 =	sadd.s32 $0xFFFFFEF7, lr;
	s5 =	simm.s32 $0xFFFFFFFF;
	p2 =	slt.u32 s8, $0xFFFFF086  }
0x1c: {  	p1 =	slt.u32 s9, $0xF7A;
	s5 =	simm.s32 @!p2 $0x0  }
0x1d: {  	s5 =	simm.s32 @p1 $0x1;
	p0 =	seq.s32 s7, s2  }
0x1e: {  	s7 =	smul.u32 @!p0 $0xF7A, s2;
	p2 =	seq.s32 @!p0 s5, $0x0  }
0x1f: {  	s9 =	smul.u32 $0xF7A, s1;
	s8 =	simm.s32 @!p0 $0x1BF5;
	p2 =	por !p2, p0  }
0x20: {  	[sflag:s8] =	ssyncset.s32 @!p0 $0xFFFFF086;
	s6 =	sadd.s32 @!p0 s3, s7;
	s7 =	simm.s32 @!p0 $0x108  }
0x21: {  	s3 =	sadd.s32 s3, s9;
	s6 =	sadd.s32 @!p0 $0x88, s6;
	s7 =	simm.s32 @p2 $0x1082  }
0x22: {  	[simem:s7], [sflag:s8] =	dma.local @!p0 [hbm:s6], $0xF7A  }
0x23: {  	s9 =	sor.u32 $0xD0000000, s2;
	s6 =	simm.s32 $0x108;
	_ =	swait.ge @!p0 [sflag:s8], $0x0  }
0x24: {  	s3 =	sadd.s32 $0x88, s3;
	s6 =	simm.s32 @!p1 $0x1082;
	[sflag:s4] =	ssyncset.s32 $0xFFFFF086  }
0x25: {  	[simem:s6], [sflag:s4] =	dma.local [hbm:s3], $0xF7A  }
0x26: {  	[smem:$0x3F9E] =	sst s1;
	(tag) =	ssettag s2;
	_ =	strace s9  }
0x27: {  	s1 =	sld [smem:$0x3FAE]  }
0x28: {  	s2 =	sld [smem:$0x3FAF]  }
0x29: {  	s4 =	sld [smem:$0x3FB1]  }
0x2a: {  	p0 =	seq.s32 s5, $0x0;
	s5 =	sld [smem:$0x3FB2]  }
0x2b: {  	s6 =	sld [smem:$0x3FB3]  }
0x2c: {  	s7 =	sld [smem:$0x3FB4]  }
0x2d: {  	s3 =	simm.s32 $0x108;
	s8 =	sld [smem:$0x3FB5]  }
0x2e: {  	s3 =	simm.s32 @!p0 $0x1082;
	s9 =	sld [smem:$0x3FB6]  }
0x2f: {  	lr =	sadd.s32 s0, s3;
	s0 =	sld [smem:$0x3FAD]  }
0x30: {  	s3 =	sld [smem:$0x3FB0]  }
0x31: {  	[smem:$0x3FB9] =	sst s10  }
0x32: {  	s10 =	sld [smem:$0x3FB7];
	_ =	sdelay $0x3  }
0x33: {  	p0 =	seq.s32 s10, $0x1;
	s10 =	sld [smem:$0x3FB9];
	_ =	sdelay $0x3  }
0x34: {  	[smem:$0x3FB9] =	sst s10  }
0x35: {  	s10 =	sld [smem:$0x3FB8];
	_ =	sdelay $0x3  }
0x36: {  	p1 =	seq.s32 s10, $0x1;
	s10 =	sld [smem:$0x3FB9];
	_ =	sdelay $0x3  }
0x37: {  	[smem:$0x3FB9] =	sst s10  }
0x38: {  	s10 =	sld [smem:$0x3FBA]  }
0x39: {  	_ = 	snop;
	(pc) =	sbr.ind lr, $3  }
0x3a: {  	_ = 	snop  }
0x3b: {  	_ = 	snop  }
0x3c: {  	p2 =	seq.s32 s10, $0x1;
	s10 =	sld [smem:$0x3FB9]  }
0x3d: {  	_ =	shalt  }
0x3e: {  	_ =	shalt  }
0x3f: {  	_ =	shalt  }
0x40: {  	_ =	shalt  }
0x41: {  	_ =	shalt  }
0x42: {  	_ =	shalt  }
0x43: {  	_ =	shalt  }
0x44: {  	_ =	shalt  }
0x45: {  	_ =	shalt  }
0x46: {  	_ =	shalt  }
0x47: {  	_ =	shalt  }
0x48: {  	_ =	shalt  }
0x49: {  	_ =	shalt  }
0x4a: {  	_ =	shalt  }
0x4b: {  	_ =	shalt  }
0x4c: {  	_ =	shalt  }
0x4d: {  	_ =	shalt  }
0x4e: {  	_ =	shalt  }
0x4f: {  	_ =	shalt  }
0x50: {  	_ =	shalt  }
0x51: {  	_ =	shalt  }
0x52: {  	_ =	shalt  }
0x53: {  	_ =	shalt  }
0x54: {  	_ =	shalt  }
0x55: {  	_ =	shalt  }
0x56: {  	_ =	shalt  }
0x57: {  	_ =	shalt  }
0x58: {  	_ =	shalt  }
0x59: {  	_ =	shalt  }
0x5a: {  	_ =	shalt  }
0x5b: {  	_ =	shalt  }
0x5c: {  	_ =	shalt  }
0x5d: {  	_ =	shalt  }
0x5e: {  	_ =	shalt  }
0x5f: {  	_ =	shalt  }
0x60: {  	_ =	shalt  }
0x61: {  	_ =	shalt  }
0x62: {  	_ =	shalt  }
0x63: {  	_ =	shalt  }
0x64: {  	_ =	shalt  }
0x65: {  	_ =	shalt  }
0x66: {  	_ =	shalt  }
0x67: {  	_ =	shalt  }
0x68: {  	_ =	shalt  }
0x69: {  	_ =	shalt  }
0x6a: {  	_ =	shalt  }
0x6b: {  	_ =	shalt  }
0x6c: {  	_ =	shalt  }
0x6d: {  	_ =	shalt  }
0x6e: {  	_ =	shalt  }
0x6f: {  	_ =	shalt  }
0x70: {  	_ =	shalt  }
0x71: {  	_ =	shalt  }
0x72: {  	_ =	shalt  }
0x73: {  	_ =	shalt  }
0x74: {  	_ =	shalt  }
0x75: {  	_ =	shalt  }
0x76: {  	_ =	shalt  }
0x77: {  	_ =	shalt  }
0x78: {  	_ =	shalt  }
0x79: {  	_ =	shalt  }
0x7a: {  	_ =	shalt  }
0x7b: {  	_ =	shalt  }
0x7c: {  	_ =	shalt  }
0x7d: {  	_ =	shalt  }
0x7e: {  	_ =	shalt  }
0x7f: {  	_ =	shalt  }
0x80: {  	_ =	shalt  }
0x81: {  	_ =	shalt  }
0x82: {  	_ =	shalt  }
0x83: {  	_ =	shalt  }
0x84: {  	_ =	shalt  }
0x85: {  	_ =	shalt  }
0x86: {  	_ =	shalt  }
0x87: {  	_ =	shalt  }
.Lfunc_end0:
.L_simem_size_0:
called_computation.1_lowered:
.L_overlay_start_0:
0x88: {  	s2 =	sld [smem:$0x3FD9]  }
0x89: {  	s3 =	sld [smem:$0x3FFE];
	_ =	sdelay $0x1  }
0x8a: {  	s1 =	srdreg.scid  }
0x8b: {  	s0 =	sand.u32 $0x1, s1  }
0x8c: {  	s17 =	sshll.u32 s0, $0xA;
	s2 =	sadd.s32 s3, s2  }
0x8d: {  	s2 =	sadd.s32 s2, s17  }
0x8e: {  	[smem:$0x3FC5] =	sst s2  }
0x8f: {  	_ = 	snop  }
0x90: {  	s2 =	sld [smem:$0x3FC9]  }
0x91: {  	s18 =	sld [smem:$0x3FD0];
	(tm) =	ssettm $0x1  }
0x92: {  	s4 =	sld [smem:$0x3FFB];
	_ =	sdelay $0x3  }
0x93: {  	_ =	strace s4  }
0x94: {  	s4 =	sld [smem:$0x3FFC];
	_ =	sdelay $0x3  }
0x95: {  	_ =	strace s4  }
0x96: {  	s4 =	sld [smem:$0x3FFD];
	_ =	sdelay $0x3  }
0x97: {  	_ =	strace s4  }
0x98: {  	_ =	strace $0x8FFFFFFF  }
0x99: {  	s19 =	sld [smem:$0x3FDB];
	_ =	sdelay $0x1  }
0x9a: {  	s5 =	simm.s32 $_scs_section_size  }
0x9b: {  	s6 =	simm.s32 $_size__tile_overlayer_lowered;
	s7 =	simm.s32 $_tile_overlayer_lowered  }
0x9c: {  	s22 =	simm.s32 $0x1BFF;
	s21 =	sshll.u32 s7, $0x1;
	s4 =	sadd.s32 s5, s19  }
0x9d: {  	s8 =	simm.s32 $0x0;
	s20 =	sshll.u32 s6, $0x1;
	s6 =	sadd.s32 s21, s4  }
0x9e: {  	[timem:s8], [sflag:s22] =	dma.local [hbm:s6], s20  }
0x9f: {  	_ =	swait.ge [sflag:s22], s20  }
0xa0: {  	s5 =	ssub.s32 $0x0, s20;
	[sflag:s22] =	ssyncset.done $0x0  }
0xa1: {  	[sflag:s22] =	ssyncadd.s32 s5;
	_ =	sdelay $0x1  }
0xa2: {  	s23 =	simm.s32 $0x1B8B  }
0xa3: {  	_ =	swait.ge [sflag:s23], $0x1  }
0xa4: {  	[sflag:s23] =	ssyncset.done $0x0  }
0xa5: {  	s25 =	simm.s32 $0x1B8E;
	s24 =	sld [smem:$0x3FFE];
	[sflag:s23] =	ssyncadd.s32 $0xFFFFFFFF  }
0xa6: {  	s26 =	simm.s32 $execute0_lowered;
	[smem:$0x3FD2] =	sst s25  }
0xa7: {  	s6 =	sshll.u32 s26, $0x1;
	_ =	strace $0x80000049;
	[dreg:$0x1] =	wrdreg $0xFFFFFFFF  }
0xa8: {  	s28 =	simm.s32 $_size_execute0_lowered;
	s4 =	sadd.s32 s4, s6;
	[dreg:$0x0] =	wrdreg $0x0  }
0xa9: {  	s6 =	sshll.u32 s28, $0x1;
	[dreg:$0x2] =	wrdreg s4  }
0xaa: {  	[dreg:$0x3] =	wrdreg s6  }
0xab: {  	[dreg:$0x4] =	wrdreg $0xC0  }
0xac: {  	_ =	task [dreg:s8], $0x5FFFF  }
0xad: {  	[dreg:$0x1] =	wrdreg $0xFFFFFFFF  }
0xae: {  	[dreg:$0x0] =	wrdreg $0x60  }
0xaf: {  	[dreg:$0x2] =	wrdreg s2  }
0xb0: {  	[dreg:$0x3] =	wrdreg s24  }
0xb1: {  	[dreg:$0x4] =	wrdreg s18  }
0xb2: {  	[dreg:$0x5] =	wrdreg $0x9  }
0xb3: {  	_ =	task.clear_ibuf [dreg:s8], $0x6FFFF;
	_ =	strace $0x90000049  }
0xb4: {  	s29 =	simm.s32 $0x9;
	_ =	strace $0x8000004B  }
0xb5: {  	_ =	swait.ge [sflag:s29], $0x1  }
0xb6: {  	[sflag:s29] =	ssyncadd.s32 $0xFFFFFFFF  }
0xb7: {  	_ =	strace $0x9000004B  }
0xb8: {  	_ =	sfence  }
0xb9: {  	s30 =	sld [smem:$0x0];
	_ =	sdelay $0x2  }
0xba: {  	s31 =	sshll.u32 s1, $0xD;
	s1 =	sshrl.u32 s1, $0x2  }
0xbb: {  	s3 =	sand.u32 $0x4000, s31;
	s1 =	sadd.s32 s1, s30  }
0xbc: {  	s0 =	sor.u32 s3, s0;
	s1 =	sshll.u32 s1, $0x11  }
0xbd: {  	s0 =	sor.u32 s1, s0  }
0xbe: {  	s0 =	sadd.s32 $0x8F2B, s0  }
0xbf: {  	[sflag:s0] =	ssyncadd.remote.s32 $0x1  }
0xc0: {  	_ =	sfence.sel $0xFFFF  }
0xc1: {  	[dreg:$0x0] =	wrdreg $0xFFFFFFFF;
	(pc) =	sbr.abs _section_cstart, $3  }
0xc2: {  	[dreg:$0x1] =	wrdreg $0xFFFFFFFF  }
0xc3: {  	_ =	task.clear_ibuf [dreg:s8], $0x2FFFF;
	_ =	strace $0x9FFFFFFF  }
0xc4: {  	(tm) =	ssettm $0x7FFFFFFF  }
0xc5: {  	_ =	shalt  }
tec
execute0_lowered:
.L_overlay_start_1:
0x0: {  	(tag) =	ssettag $0x1  }
0x1: {  	v0 =	vimm.s32 $0x1380;
	vm14 =	vcmask $0x300  }
0x2: {  	vm13 =	vcmask $0x704;
	vm12 =	vcmask $0xB08;
	vm11 =	vcmask $0xF0C  }
0x3: {  	vm10 =	vcmask $0x1310;
	vm9 =	vcmask $0x1714;
	vm8 =	vcmask $0x1B18  }
0x4: {  	vm7 =	vcmask $0x1F1C;
	vm6 =	vcmask $0x2320;
	vm5 =	vcmask $0x2724  }
0x5: {  	vm4 =	vcmask $0x2B28;
	vm3 =	vcmask $0x2F2C;
	vm2 =	vcmask $0x3330  }
0x6: {  	vm1 =	vcmask $0x3734;
	vm0 =	vcmask $0x3B38;
	v3 =	vimm.s32 $0x3380  }
0x7: {  	v4 =	vimm.s32 $0x5380;
	v5 =	vimm.s32 $0x7380;
	v0 =	vsel vm14, $0x0, v0  }
0x8: {  	v3 =	vsel vm14, $0x2000, v3;
	v4 =	vsel vm14, $0x4000, v4;
	v5 =	vsel vm14, $0x6000, v5  }
0x9: {  	v0 =	vsel vm13, $0x80, v0;
	v3 =	vsel vm13, $0x2080, v3;
	v4 =	vsel vm13, $0x4080, v4  }
0xa: {  	v5 =	vsel vm13, $0x6080, v5;
	v0 =	vsel vm12, $0x100, v0;
	v3 =	vsel vm12, $0x2100, v3  }
0xb: {  	v4 =	vsel vm12, $0x4100, v4;
	v5 =	vsel vm12, $0x6100, v5;
	v0 =	vsel vm11, $0x180, v0  }
0xc: {  	v3 =	vsel vm11, $0x2180, v3;
	v4 =	vsel vm11, $0x4180, v4;
	v5 =	vsel vm11, $0x6180, v5  }
0xd: {  	v0 =	vsel vm10, $0x200, v0;
	v3 =	vsel vm10, $0x2200, v3;
	v4 =	vsel vm10, $0x4200, v4  }
0xe: {  	v5 =	vsel vm10, $0x6200, v5;
	v0 =	vsel vm9, $0x280, v0;
	v3 =	vsel vm9, $0x2280, v3  }
0xf: {  	v4 =	vsel vm9, $0x4280, v4;
	v5 =	vsel vm9, $0x6280, v5;
	v0 =	vsel vm8, $0x300, v0  }
0x10: {  	v3 =	vsel vm8, $0x2300, v3;
	v4 =	vsel vm8, $0x4300, v4;
	v5 =	vsel vm8, $0x6300, v5  }
0x11: {  	v0 =	vsel vm7, $0x380, v0;
	v3 =	vsel vm7, $0x2380, v3;
	v4 =	vsel vm7, $0x4380, v4  }
0x12: {  	s3 =	rddreg [dreg:$0x0];
	v5 =	vsel vm7, $0x6380, v5;
	v0 =	vsel vm6, $0x1000, v0;
	v3 =	vsel vm6, $0x3000, v3  }
0x13: {  	s4 =	rddreg [dreg:$0x1];
	v4 =	vsel vm6, $0x5000, v4;
	v5 =	vsel vm6, $0x7000, v5;
	v0 =	vsel vm5, $0x1080, v0  }
0x14: {  	s6 =	rddreg [dreg:$0x2];
	s2 =	srdreg.scid;
	v3 =	vsel vm5, $0x3080, v3;
	v4 =	vsel vm5, $0x5080, v4;
	v5 =	vsel vm5, $0x7080, v5  }
0x15: {  	s0 =	rddreg [dreg:$0x3];
	s1 =	stileid.u32;
	s10 =	simm.s32 $0x1;
	v0 =	vsel vm4, $0x1100, v0;
	v3 =	vsel vm4, $0x3100, v3;
	v4 =	vsel vm4, $0x5100, v4  }
0x16: {  	s11 =	simm.s32 $0x8000;
	s12 =	simm.s32 $0x0;
	s5 =	sand.u32 $0x1, s2;
	v5 =	vsel vm4, $0x7100, v5;
	v1 =	vsel vm3, $0x1180, v0;
	v0 =	vlaneseq.u32  }
0x17: {  	s2 =	simm.s32 $0x0;
	s7 =	sshll.u32 s1, $0xA;
	s8 =	sshll.u32 s5, $0x9;
	v3 =	vsel vm3, $0x3180, v3;
	v4 =	vsel vm3, $0x5180, v4;
	v5 =	vsel vm3, $0x7180, v5  }
0x18: {  	[smem:$0x7FF] =	sst s2;
	s5 =	ssub.s32 $0x2, s5;
	s7 =	sor.u32 s8, s7;
	v1 =	vsel vm2, $0x1200, v1;
	v2 =	vor.u32 $0x10, v0;
	v3 =	vsel vm2, $0x3200, v3  }
0x19: {  	_ =	strace $0x8000004A;
	s9 =	sshrl.u32 s5, $0x1;
	s8 =	sshll.u32 s7, $0x4;
	v6 =	vsel vm2, $0x5200, v4;
	v5 =	vsel vm2, $0x7200, v5;
	v4 =	vor.u32 $0x20, v0  }
0x1a: {  	s9 =	ssub.s32 s5, s9;
	s3 =	sadd.s32 s3, s7;
	s6 =	sadd.s32 s6, s7;
	v1 =	vsel vm1, $0x1280, v1;
	v3 =	vsel vm1, $0x3280, v3;
	v6 =	vsel vm1, $0x5280, v6  }
0x1b: {  	s8 =	sadd.s32 s8, s4;
	s7 =	smax.u32 s9, $0x1;
	s9 =	simm.s32 $0x20000;
	v7 =	vsel vm1, $0x7280, v5;
	v1 =	vsel vm0, $0x1300, v1;
	v3 =	vsel vm0, $0x3300, v3  }
0x1c: {  	s4 =	sadd.s32 $0x800, s8;
	s5 =	sadd.s32 $0x1800, s8;
	s8 =	simm.s32 $0x1000;
	v5 =	vsel vm0, $0x5300, v6;
	v6 =	vor.u32 $0x30, v0;
	v7 =	vsel vm0, $0x7300, v7  }
.LBB2_1:
0x1d: {  	[tilespmem:s2], [sflag:$0x1] =	stream.strided.gather [hbm4b:s3+s8], $0x8000, s9, s8, $0x38;
	[tilespmem:$0x10000] =	vst v63  }
0x1e: {  	v8 =	vmov s2;
	_ =	swait.ge [sflag:s10], $0x8000  }
0x1f: {  	v9 =	vshll.u32 v8, $0x7;
	[sflag:s10] =	ssyncset.done $0x0  }
0x20: {  	v10 =	vor.u32 v0, v9;
	[sflag:s10] =	ssyncadd.s32 $0xFFFF8000  }
0x21: {  	[tilespmem:s11], [sflag:$0x1] =	stream.linear.gather [hbm4b:s4+s2], $0x8000, $0x38;
	[tilespmem:$0x10000] =	vst v63  }
0x22: {  	v11 =	vshll.u32 v8, $0x3;
	_ =	swait.ge [sflag:s10], $0x8000  }
0x23: {  	v8 =	vand.u32 $0x7F, v8;
	v11 =	vand.u32 $0x400, v11;
	[sflag:s10] =	ssyncset.done $0x0  }
0x24: {  	v8 =	vor.u32 v8, v11;
	[sflag:s10] =	ssyncadd.s32 $0xFFFF8000  }
0x25: {  	v11 =	vor.u32 v1, v8;
	v10 =	vld.idx.msk [tilespmem:v10+s11+$0x0], $0xffff  }
0x26: {  	v12 =	vor.u32 v2, v9;
	_ =	sdelay $0x3  }
0x27: {  	[tilespmem:v11+s2+$0x0] =	vst.idx.add.f32.msk $0xffff, v10  }
0x28: {  	v11 =	vor.u32 v3, v8;
	v10 =	vld.idx.msk [tilespmem:v12+s11+$0x0], $0xffff  }
0x29: {  	v62 =	vor.u32 v4, v9;
	_ =	sdelay $0x3  }
0x2a: {  	[tilespmem:v11+s2+$0x0] =	vst.idx.add.f32.msk $0xffff, v10  }
0x2b: {  	v11 =	vor.u32 v5, v8;
	v10 =	vld.idx.msk [tilespmem:v62+s11+$0x0], $0xffff  }
0x2c: {  	v63 =	vor.u32 v6, v9;
	_ =	sdelay $0x3  }
0x2d: {  	s13 =	simm.s32 $0x1;
	[tilespmem:v11+s2+$0x0] =	vst.idx.add.f32.msk $0xffff, v10  }
0x2e: {  	v9 =	vmov s13;
	s13 =	simm.s32 $0x2;
	v10 =	vld.idx.msk [tilespmem:v63+s11+$0x0], $0xffff  }
.LBB2_2:
0x2f: {  	p0 =	sne.s32 s13, $0xFF;
	v11 =	vshll.u32 v9, $0x7;
	v8 =	vor.u32 v7, v8  }
0x30: {  	v12 =	vor.u32 v0, v11;
	_ =	sdelay $0x2  }
0x31: {  	v13 =	vshll.u32 v9, $0x3  }
0x32: {  	v9 =	vand.u32 $0x7F, v9;
	v13 =	vand.u32 $0x400, v13;
	[tilespmem:v8+s2+$0x0] =	vst.idx.add.f32.msk $0xffff, v10  }
0x33: {  	v8 =	vor.u32 v9, v13;
	v10 =	vld.idx.msk [tilespmem:v12+s11+$0x0], $0xffff  }
0x34: {  	v9 =	vor.u32 v1, v8  }
0x35: {  	v12 =	vor.u32 v2, v11;
	_ =	sdelay $0x3  }
0x36: {  	[tilespmem:v9+s2+$0x0] =	vst.idx.add.f32.msk $0xffff, v10  }
0x37: {  	v9 =	vld.idx.msk [tilespmem:v12+s11+$0x0], $0xffff  }
0x38: {  	v10 =	vor.u32 v3, v8  }
0x39: {  	v12 =	vor.u32 v4, v11;
	_ =	sdelay $0x3  }
0x3a: {  	[tilespmem:v10+s2+$0x0] =	vst.idx.add.f32.msk $0xffff, v9  }
0x3b: {  	v9 =	vld.idx.msk [tilespmem:v12+s11+$0x0], $0xffff  }
0x3c: {  	v10 =	vor.u32 v5, v8  }
0x3d: {  	v11 =	vor.u32 v6, v11  }
.Ltmp0:
0x3e: {  	(pc) =	sbr.rel @p0 .LBB2_2-.Ltmp0, $3  }
0x3f: {  	_ =	sdelay $0x1  }
0x40: {  	[tilespmem:v10+s2+$0x0] =	vst.idx.add.f32.msk $0xffff, v9  }
0x41: {  	v9 =	vmov s13;
	s13 =	sadd.s32 $0x1, s13;
	v10 =	vld.idx.msk [tilespmem:v11+s11+$0x0], $0xffff  }
0x42: {  	v11 =	vshll.u32 v9, $0x7;
	v8 =	vor.u32 v7, v8  }
0x43: {  	v12 =	vor.u32 v0, v11;
	_ =	sdelay $0x1  }
0x44: {  	v13 =	vshll.u32 v9, $0x3  }
0x45: {  	v9 =	vand.u32 $0x7F, v9;
	v13 =	vand.u32 $0x400, v13  }
0x46: {  	[tilespmem:v8+s2+$0x0] =	vst.idx.add.f32.msk $0xffff, v10;
	v8 =	vor.u32 v9, v13  }
0x47: {  	v9 =	vld.idx.msk [tilespmem:v12+s11+$0x0], $0xffff;
	v10 =	vor.u32 v1, v8  }
0x48: {  	v62 =	vor.u32 v2, v11;
	_ =	sdelay $0x3  }
0x49: {  	[tilespmem:v10+s2+$0x0] =	vst.idx.add.f32.msk $0xffff, v9  }
0x4a: {  	v10 =	vor.u32 v3, v8;
	v9 =	vld.idx.msk [tilespmem:v62+s11+$0x0], $0xffff  }
0x4b: {  	v63 =	vor.u32 v4, v11;
	_ =	sdelay $0x3  }
0x4c: {  	[tilespmem:v10+s2+$0x0] =	vst.idx.add.f32.msk $0xffff, v9  }
0x4d: {  	v10 =	vor.u32 v5, v8;
	v9 =	vld.idx.msk [tilespmem:v63+s11+$0x0], $0xffff  }
0x4e: {  	v11 =	vor.u32 v6, v11;
	_ =	sdelay $0x3  }
0x4f: {  	[tilespmem:v10+s2+$0x0] =	vst.idx.add.f32.msk $0xffff, v9  }
0x50: {  	v8 =	vor.u32 v7, v8;
	v9 =	vld.idx.msk [tilespmem:v11+s11+$0x0], $0xffff;
	_ =	sdelay $0x3  }
0x51: {  	s13 =	simm.s32 $0x0  }
0x52: {  	s14 =	simm.s32 $0x0;
	s15 =	simm.s32 $0x100;
	[tilespmem:v8+s2+$0x0] =	vst.idx.add.f32.msk $0xffff, v9;
	v8 =	vor.u32 s13, v0  }
0x53: {  	v9 =	vmov s15;
	[tilespmem:s11], [sflag:$0x1] =	stream.linear.gather [hbm4b:s5+s14], $0x8000, $0x38;
	[tilespmem:$0x10000] =	vst v63  }
0x54: {  	v10 =	vshll.u32 v9, $0x3;
	_ =	swait.ge [sflag:s10], $0x8000  }
0x55: {  	v9 =	vand.u32 $0x7F, v9;
	v10 =	vand.u32 $0xC00, v10;
	[sflag:s10] =	ssyncset.done $0x0  }
0x56: {  	v9 =	vor.u32 v9, v10;
	[sflag:s10] =	ssyncadd.s32 $0xFFFF8000  }
0x57: {  	v10 =	vor.u32 v1, v9;
	v8 =	vld.idx.msk [tilespmem:v8+s11+$0x0], $0xffff  }
0x58: {  	v11 =	vor.u32 s13, v2;
	_ =	sdelay $0x3  }
0x59: {  	[tilespmem:v10+s2+$0x0] =	vst.idx.add.f32.msk $0xffff, v8  }
0x5a: {  	v10 =	vor.u32 v3, v9;
	v8 =	vld.idx.msk [tilespmem:v11+s11+$0x0], $0xffff  }
0x5b: {  	v11 =	vor.u32 s13, v4;
	_ =	sdelay $0x3  }
0x5c: {  	[tilespmem:v10+s2+$0x0] =	vst.idx.add.f32.msk $0xffff, v8  }
0x5d: {  	v10 =	vor.u32 v5, v9;
	v8 =	vld.idx.msk [tilespmem:v11+s11+$0x0], $0xffff  }
0x5e: {  	v11 =	vor.u32 s13, v6;
	_ =	sdelay $0x3  }
0x5f: {  	[tilespmem:v10+s2+$0x0] =	vst.idx.add.f32.msk $0xffff, v8  }
0x60: {  	s15 =	simm.s32 $0x2;
	s14 =	simm.s32 $0x1;
	v9 =	vor.u32 v7, v9;
	s13 =	simm.s32 $0x80;
	v8 =	vld.idx.msk [tilespmem:v11+s11+$0x0], $0xffff  }
.LBB2_4:
0x61: {  	p0 =	sne.s32 s15, $0xFF;
	v10 =	vor.u32 s13, v0  }
0x62: {  	s16 =	sadd.s32 $0x100, s14;
	s14 =	smov.u32 s15  }
0x63: {  	v11 =	vmov s16  }
0x64: {  	v12 =	vshll.u32 v11, $0x3  }
0x65: {  	v11 =	vand.u32 $0x7F, v11;
	v12 =	vand.u32 $0xC00, v12;
	[tilespmem:v9+s2+$0x0] =	vst.idx.add.f32.msk $0xffff, v8  }
0x66: {  	v9 =	vor.u32 v11, v12;
	v8 =	vld.idx.msk [tilespmem:v10+s11+$0x0], $0xffff  }
0x67: {  	v10 =	vor.u32 v1, v9  }
0x68: {  	v11 =	vor.u32 s13, v2;
	_ =	sdelay $0x3  }
0x69: {  	[tilespmem:v10+s2+$0x0] =	vst.idx.add.f32.msk $0xffff, v8  }
0x6a: {  	v8 =	vld.idx.msk [tilespmem:v11+s11+$0x0], $0xffff  }
0x6b: {  	v10 =	vor.u32 v3, v9  }
0x6c: {  	v11 =	vor.u32 s13, v4;
	_ =	sdelay $0x3  }
0x6d: {  	[tilespmem:v10+s2+$0x0] =	vst.idx.add.f32.msk $0xffff, v8  }
0x6e: {  	v8 =	vld.idx.msk [tilespmem:v11+s11+$0x0], $0xffff  }
0x6f: {  	v10 =	vor.u32 v5, v9  }
0x70: {  	v11 =	vor.u32 s13, v6;
	_ =	sdelay $0x1  }
.Ltmp1:
0x71: {  	(pc) =	sbr.rel @p0 .LBB2_4-.Ltmp1, $4  }
0x72: {  	_ = 	snop  }
0x73: {  	[tilespmem:v10+s2+$0x0] =	vst.idx.add.f32.msk $0xffff, v8  }
0x74: {  	v8 =	vld.idx.msk [tilespmem:v11+s11+$0x0], $0xffff  }
0x75: {  	s15 =	sadd.s32 $0x1, s15;
	v9 =	vor.u32 v7, v9;
	s13 =	sshll.u32 s14, $0x7  }
0x76: {  	v10 =	vor.u32 s13, v0;
	s14 =	sadd.s32 $0x100, s14  }
0x77: {  	v11 =	vmov s14  }
0x78: {  	v12 =	vshll.u32 v11, $0x3  }
0x79: {  	v11 =	vand.u32 $0x7F, v11;
	v12 =	vand.u32 $0xC00, v12  }
0x7a: {  	[tilespmem:v9+s2+$0x0] =	vst.idx.add.f32.msk $0xffff, v8;
	v8 =	vor.u32 v11, v12  }
0x7b: {  	v9 =	vld.idx.msk [tilespmem:v10+s11+$0x0], $0xffff;
	v58 =	vor.u32 v1, v8  }
0x7c: {  	v59 =	vor.u32 s13, v2;
	_ =	sdelay $0x3  }
0x7d: {  	[tilespmem:v58+s2+$0x0] =	vst.idx.add.f32.msk $0xffff, v9  }
0x7e: {  	v60 =	vor.u32 v3, v8;
	v9 =	vld.idx.msk [tilespmem:v59+s11+$0x0], $0xffff  }
0x7f: {  	v61 =	vor.u32 s13, v4;
	_ =	sdelay $0x3  }
0x80: {  	[tilespmem:v60+s2+$0x0] =	vst.idx.add.f32.msk $0xffff, v9  }
0x81: {  	v62 =	vor.u32 v5, v8;
	v9 =	vld.idx.msk [tilespmem:v61+s11+$0x0], $0xffff  }
0x82: {  	v63 =	vor.u32 s13, v6;
	_ =	sdelay $0x3  }
0x83: {  	[tilespmem:v62+s2+$0x0] =	vst.idx.add.f32.msk $0xffff, v9  }
0x84: {  	v8 =	vor.u32 v7, v8;
	v9 =	vld.idx.msk [tilespmem:v63+s11+$0x0], $0xffff;
	_ =	sdelay $0x2  }
0x85: {  	s12 =	sadd.s32 $0x1, s12  }
0x86: {  	p0 =	sne.s32 s12, s7  }
.Ltmp2:
0x87: {  	[tilespmem:v8+s2+$0x0] =	vst.idx.add.f32.msk $0xffff, v9;
	(pc) =	sbr.rel @p0 .LBB2_1-.Ltmp2, $4  }
0x88: {  	[hbm4b:s6+s8] =	stream.strided.scatter [tilespmem:s2], [sflag:$0x1], $0x8000, s9, s8, $0x38;
	[tilespmem:$0x10000] =	vst v63  }
0x89: {  	_ =	swait.ge [sflag:s10], $0x8000  }
0x8a: {  	[sflag:s10] =	ssyncset.done $0x0  }
0x8b: {  	[sflag:s10] =	ssyncadd.s32 $0xFFFF8000  }
0x8c: {  	_ =	sfence.sel $0x180000  }
0x8d: {  	[bflag:$0x0] =	sbarrier.arrive $0xFFFF  }
0x8e: {  	p0 =	sne.s32 s1, $0x0;
	_ =	strace $0x9000004A  }
0x8f: {  	s0 =	sadd.s32 @!p0 $0x100000, s0;
	[bflag:$0x2] =	sbarrier.arrive $0xFFFF  }
0x90: {  	[sflag:s0] =	ssyncadd.tile.s32 @!p0 $0x1;
	_ =	shalt  }
.Lfunc_end2:
_tile_overlayer_lowered:
.L_overlay_start_2:
0x91: {  	(tag) =	ssettag $0x2  }
0x92: {  	s0 =	rddreg [dreg:$0x0];
	s2 =	stileid.u32  }
0x93: {  	s1 =	rddreg [dreg:$0x1];
	p0 =	sne.s32 s2, $0x0  }
0x94: {  	s3 =	rddreg [dreg:$0x2];
	[bflag:$0x3] =	sbarrier.arrive $0xFFFF;
	s2 =	simm.s32 @!p0 $0x1C01  }
0x95: {  	[timem:s3], [sflag:s2] =	dma.local @!p0 [hbm:s0], s1  }
0x96: {  	s0 =	simm.s32 @!p0 $0x1  }
0x97: {  	_ =	swait.ge @!p0 [sflag:s0], s1  }
0x98: {  	s1 =	ssub.s32 @!p0 $0x0, s1;
	[sflag:s0] =	ssyncset.done @!p0 $0x0  }
0x99: {  	[sflag:s0] =	ssyncadd.s32 @!p0 s1  }
0x9a: {  	[bflag:$0x3] =	sbarrier.arrive $0xFFFF  }
0x9b: {  	_ =	shalt  }

</sc_bundles>
